<compile_context>
chip_gen: v7x
topology: tpu7x:2x2x1
jax: 0.10.2.dev20260603
libtpu: 0.0.44.dev20260713+nightly
codegen_flags: <defaults>
</compile_context>

<pallas_src>
import functools

import jax
import jax.numpy as jnp
from jax import lax
from jax.experimental import pallas as pl
from jax.experimental.pallas import tpu as pltpu
from jax.experimental.pallas import tpu_sc as plsc

_TB = 1024


def _sc_gather(table, idx_flat):
    _, H = table.shape
    N = idx_flat.shape[0]
    NC, NS = 2, 16
    NW = NC * NS
    rows_per_w = N // NW
    CH = 128
    n_ch = rows_per_w // CH

    mesh = plsc.VectorSubcoreMesh(core_axis_name="c", subcore_axis_name="s")

    @functools.partial(
        pl.kernel,
        mesh=mesh,
        out_type=jax.ShapeDtypeStruct((N, H), jnp.float32),
        scratch_types=[
            pltpu.VMEM((CH,), jnp.int32),
            pltpu.VMEM((CH, H), jnp.float32),
            pltpu.SemaphoreType.DMA,
        ],
    )
    def k(table_hbm, idx_hbm, out_hbm, idx_v, rows_v, sem):
        wid = lax.axis_index("s") * NC + lax.axis_index("c")
        base = wid * rows_per_w
        for c in range(n_ch):
            off = base + c * CH
            pltpu.sync_copy(idx_hbm.at[pl.ds(off, CH)], idx_v)
            pltpu.async_copy(table_hbm.at[idx_v], rows_v, sem).wait()
            pltpu.sync_copy(rows_v, out_hbm.at[pl.ds(off, CH)])

    return k(table, idx_flat)


def _char_body(TB, W, CV, c_ref, ce_ref, cw_ref, cb_ref, o_ref):
    H = cw_ref.shape[1]
    cid2 = c_ref[...].reshape(TB, W).astype(jnp.bfloat16)
    col = lax.broadcasted_iota(jnp.int32, (TB, CV), 1).astype(jnp.bfloat16)
    one = jnp.ones((TB, CV), jnp.bfloat16)
    zero = jnp.zeros((TB, CV), jnp.bfloat16)
    oh = jnp.concatenate(
        [jnp.where(col == cid2[:, w:w + 1], one, zero) for w in range(W)],
        axis=0)
    ce = jnp.dot(oh, ce_ref[...].astype(jnp.bfloat16),
                 preferred_element_type=jnp.float32).astype(jnp.float8_e4m3fn)
    CD = ce.shape[1]
    ce3 = ce.reshape(W, TB, CD)
    z = jnp.zeros((1, TB, CD), jnp.float8_e4m3fn)
    prev = jnp.concatenate([z, ce3[: W - 1]], axis=0)
    nxt = jnp.concatenate([ce3[1:], z], axis=0)
    x3 = jnp.concatenate([prev, ce3, nxt], axis=2)
    cw = cw_ref[...].astype(jnp.float8_e4m3fn)
    G = 2
    acc = None
    for g in range(0, W, G):
        yg = jnp.dot(x3[g:g + G].reshape(G * TB, x3.shape[2]), cw,
                     preferred_element_type=jnp.float32)
        m = jnp.max(yg.reshape(G, TB, H), axis=0)
        acc = m if acc is None else jnp.maximum(acc, m)
    cf = jnp.maximum(acc + cb_ref[...], 0.0)
    o_ref[...] = cf.astype(jnp.bfloat16)


def _char_feat(cids3, ce16, cw16, cb2):
    NB, TB, W = cids3.shape
    CV, CD = ce16.shape
    H = cw16.shape[1]
    body = functools.partial(_char_body, TB, W, CV)
    return pl.pallas_call(
        body,
        grid=(NB,),
        in_specs=[
            pl.BlockSpec((1, TB, W), lambda i: (i, 0, 0)),
            pl.BlockSpec((CV, CD), lambda i: (0, 0)),
            pl.BlockSpec((3 * CD, H), lambda i: (0, 0)),
            pl.BlockSpec((1, H), lambda i: (0, 0)),
        ],
        out_specs=pl.BlockSpec((TB, H), lambda i: (i, 0)),
        out_shape=jax.ShapeDtypeStruct((NB * TB, H), jnp.bfloat16),
        compiler_params=pltpu.CompilerParams(
            dimension_semantics=("arbitrary",)),
    )(cids3, ce16, cw16, cb2)


def _main_body(we_ref, pos_ref, ttf_ref, type_ref, cf_ref, aug_ref,
               augw_ref, augb_ref, clw_ref, clb_ref, g_ref, b_ref, o_ref):
    H = we_ref.shape[1]
    TB = we_ref.shape[0]
    L = pos_ref.shape[0]
    ttf = ttf_ref[...].reshape(TB, 1).astype(jnp.float32)
    t0 = type_ref[0:1, :]
    t1 = type_ref[1:2, :]
    pos = pos_ref[...]
    if TB > L:
        pos = jnp.concatenate([pos] * (TB // L), axis=0)
    emb = we_ref[...] + pos + t0 + ttf * (t1 - t0)
    h = (jnp.dot(emb.astype(jnp.bfloat16), clw_ref[0:H, :],
                 preferred_element_type=jnp.float32)
         + jnp.dot(cf_ref[...], clw_ref[H:2 * H, :],
                   preferred_element_type=jnp.float32)
         + clb_ref[...])
    h = h + jnp.dot(aug_ref[...], augw_ref[...],
                    preferred_element_type=jnp.float32) + augb_ref[...]
    mean = jnp.mean(h, axis=1, keepdims=True)
    d = h - mean
    var = jnp.mean(d * d, axis=1, keepdims=True)
    o_ref[...] = d * lax.rsqrt(var + 1e-12) * g_ref[...] + b_ref[...]


def _main(we, pos_emb, ttf, type_emb, cf16, aug_in, aug_w, augb2, clw16,
          clb2, g2, b2, L):
    N, H = we.shape
    TB = _TB
    AD = aug_w.shape[0]
    return pl.pallas_call(
        _main_body,
        grid=(N // TB,),
        in_specs=[
            pl.BlockSpec((TB, H), lambda i: (i, 0)),
            pl.BlockSpec((L, H), lambda i: (0, 0)),
            pl.BlockSpec((1, 1, TB), lambda i: (i, 0, 0)),
            pl.BlockSpec((2, H), lambda i: (0, 0)),
            pl.BlockSpec((TB, H), lambda i: (i, 0)),
            pl.BlockSpec((TB, AD), lambda i: (i, 0)),
            pl.BlockSpec((AD, H), lambda i: (0, 0)),
            pl.BlockSpec((1, H), lambda i: (0, 0)),
            pl.BlockSpec((2 * H, H), lambda i: (0, 0)),
            pl.BlockSpec((1, H), lambda i: (0, 0)),
            pl.BlockSpec((1, H), lambda i: (0, 0)),
            pl.BlockSpec((1, H), lambda i: (0, 0)),
        ],
        out_specs=pl.BlockSpec((TB, H), lambda i: (i, 0)),
        out_shape=jax.ShapeDtypeStruct((N, H), jnp.float32),
        compiler_params=pltpu.CompilerParams(
            dimension_semantics=("arbitrary",)),
    )(we, pos_emb, ttf, type_emb, cf16, aug_in, aug_w, augb2, clw16, clb2,
      g2, b2)


def kernel(char_input_ids, sent_token_aug, input_ids, token_type_ids,
           word_emb, pos_emb, type_emb, char_emb, conv_w, conv_b,
           char_lin_w, char_lin_b, aug_w, aug_b, gamma, beta):
    B, L = input_ids.shape
    W = char_input_ids.shape[-1]
    H = word_emb.shape[1]
    AD = sent_token_aug.shape[-1]
    N = B * L

    we = _sc_gather(word_emb, input_ids.reshape(N).astype(jnp.int32))

    cf16 = _char_feat(
        char_input_ids.reshape(N // _TB, _TB, W).astype(jnp.int32),
        char_emb,
        conv_w.reshape(3 * char_emb.shape[1], H),
        conv_b.reshape(1, H),
    )

    out = _main(
        we,
        pos_emb,
        token_type_ids.reshape(N // _TB, 1, _TB).astype(jnp.int32),
        type_emb,
        cf16,
        sent_token_aug.reshape(N, AD),
        aug_w,
        aug_b.reshape(1, H),
        char_lin_w.astype(jnp.bfloat16),
        char_lin_b.reshape(1, H),
        gamma.reshape(1, H),
        beta.reshape(1, H),
        L,
    )
    return out.reshape(B, L, H)

# --- scband reference (transcript-rebuilt; emitter-appended) ---
"""Pipeline reference for scband-bert-embeddings-5050881540453 (READ-ONLY COPY).

The authoritative reference and input builder live on the scoring server;
editing this copy changes nothing except your own understanding.
"""

import jax, jax.numpy as jnp
import numpy as np


def setup_inputs(seed: int = 0):
    key = jax.random.key(seed)
    ks = jax.random.split(key, 16)
    B, L, W = 32, 512, 16
    H, V, P, T = 768, 30522, 512, 2
    CV, CD, AD = 100, 50, 100
    word_emb = jax.random.normal(ks[0], (V, H), jnp.float32) * 0.02
    word_emb = word_emb.at[0].set(0.0)  # padding_idx=0
    pos_emb = jax.random.normal(ks[1], (P, H), jnp.float32) * 0.02
    type_emb = jax.random.normal(ks[2], (T, H), jnp.float32) * 0.02
    char_emb = jax.random.normal(ks[3], (CV, CD), jnp.float32) * 0.02
    conv_w = jax.random.normal(ks[4], (3, CD, H), jnp.float32) * 0.05
    conv_b = jnp.zeros((H,), jnp.float32)
    char_lin_w = jax.random.normal(ks[5], (2 * H, H), jnp.float32) * 0.02
    char_lin_b = jnp.zeros((H,), jnp.float32)
    aug_w = jax.random.normal(ks[6], (AD, H), jnp.float32) * 0.02
    aug_b = jnp.zeros((H,), jnp.float32)
    gamma = jnp.ones((H,), jnp.float32)
    beta = jnp.zeros((H,), jnp.float32)
    char_input_ids = jax.random.randint(ks[7], (B, L, W), 0, CV)
    sent_token_aug = jax.random.normal(ks[8], (B, L, AD), jnp.float32)
    input_ids = jax.random.randint(ks[9], (B, L), 0, V)
    token_type_ids = jax.random.randint(ks[10], (B, L), 0, T)
    return {
        'char_input_ids': char_input_ids,
        'sent_token_aug': sent_token_aug,
        'input_ids': input_ids,
        'token_type_ids': token_type_ids,
        'word_emb': word_emb,
        'pos_emb': pos_emb,
        'type_emb': type_emb,
        'char_emb': char_emb,
        'conv_w': conv_w,
        'conv_b': conv_b,
        'char_lin_w': char_lin_w,
        'char_lin_b': char_lin_b,
        'aug_w': aug_w,
        'aug_b': aug_b,
        'gamma': gamma,
        'beta': beta,
    }


def reference(char_input_ids, sent_token_aug, input_ids, token_type_ids,
              word_emb, pos_emb, type_emb, char_emb, conv_w, conv_b,
              char_lin_w, char_lin_b, aug_w, aug_b, gamma, beta):
    B, L = input_ids.shape
    W = char_input_ids.shape[-1]
    H = word_emb.shape[1]
    # position ids: arange expanded to (B, L)
    pos_ids = jnp.broadcast_to(jnp.arange(L, dtype=jnp.int32)[None, :], (B, L))
    # embedding lookups (SparseCore-friendly gathers)
    we = jnp.take(word_emb, input_ids, axis=0)
    pe = jnp.take(pos_emb, pos_ids, axis=0)
    te = jnp.take(type_emb, token_type_ids, axis=0)
    # char CNN: embed -> conv1d over wordlen -> relu -> max-pool
    ce = jnp.take(char_emb, char_input_ids.reshape(-1), axis=0).reshape(B * L, W, -1)
    y = jax.lax.conv_general_dilated(
        ce, conv_w, window_strides=(1,), padding='SAME',
        dimension_numbers=('NWC', 'WIO', 'NWC')) + conv_b
    y = jax.nn.relu(y)
    char_feat = jnp.max(y, axis=1).reshape(B, L, H)
    # aug linear
    aug = sent_token_aug @ aug_w + aug_b
    emb = we + pe + te
    # use_char_cnn == 0 branch (dropout is identity in eval)
    emb = jnp.concatenate([emb, char_feat], axis=-1)
    emb = emb @ char_lin_w + char_lin_b
    # aug_before == 0 branch
    emb = emb + aug
    # LayerNorm
    mean = jnp.mean(emb, axis=-1, keepdims=True)
    var = jnp.mean((emb - mean) ** 2, axis=-1, keepdims=True)
    emb = (emb - mean) / jnp.sqrt(var + 1e-12) * gamma + beta
    return emb

if __name__ == "__main__":
    import jax
    _d = setup_inputs()
    print(jax.jit(kernel)(*tuple(_d.values())))

</pallas_src>

<mosaic_0001>
#map = affine_map<(d0, d1) -> (0, 0)>
#map1 = affine_map<(d0, d1) -> (0)>
module attributes {stable_mosaic.version = 14 : i64} {
  func.func @k(%arg0: i32, %arg1: i32, %arg2: memref<30522x768xf32, #tpu.memory_space<hbm>>, %arg3: memref<16384xi32, #tpu.memory_space<hbm>>, %arg4: memref<16384x768xf32, #tpu.memory_space<hbm>>, %arg5: memref<128xi32, #tpu.memory_space<vmem>>, %arg6: memref<128x768xf32, #tpu.memory_space<vmem>>, %arg7: memref<!tpu.dma_semaphore, #tpu.memory_space<semaphore_mem>>) attributes {dimension_semantics = [#tpu.dimension_semantics<core_parallel>, #tpu.dimension_semantics<subcore_parallel>], iteration_bounds = array<i64: 2, 16>, scalar_prefetch = 0 : i64, scratch_operands = 3 : i64, tpu.core_type = #tpu.core_type<sc_vector_subcore>, window_params = [{transform_indices = #map}, {transform_indices = #map1}, {transform_indices = #map}]} {
    %mul3A = arith.constant 2 : i32
    %mul3A_0 = arith.muli %arg1, %mul3A : i32
    %add3A = arith.addi %mul3A_0, %arg0 : i32
    %mul3A_1 = arith.constant 512 : i32
    %mul3A_2 = arith.muli %add3A, %mul3A_1 : i32
    %add3A_3 = arith.constant 0 : i32
    %add3A_4 = arith.addi %mul3A_2, %add3A_3 : i32
    "tpu.region"() ({
      %run_scoped3A = tpu.sem_alloc : memref<!tpu.dma_semaphore, #tpu.memory_space<semaphore_mem>>
      %dma_start3A_33 = tpu.memref_slice %arg3[%add3A_4] : memref<16384xi32, #tpu.memory_space<hbm>> -> memref<128xi32, #tpu.memory_space<hbm>>
      %dma_start3A_34 = tpu.memref_slice %arg3[%add3A_4] : memref<16384xi32, #tpu.memory_space<hbm>> -> memref<128xi32, #tpu.memory_space<hbm>>
      tpu.enqueue_dma source(%dma_start3A_34 : memref<128xi32, #tpu.memory_space<hbm>>) target(%arg5 : memref<128xi32, #tpu.memory_space<vmem>>) target_semaphore(%run_scoped3A : memref<!tpu.dma_semaphore, #tpu.memory_space<semaphore_mem>>)
      %dma_wait3A_35 = tpu.memref_slice %arg3[%add3A_4] : memref<16384xi32, #tpu.memory_space<hbm>> -> memref<128xi32, #tpu.memory_space<hbm>>
      %dma_wait3A_36 = tpu.memref_slice %arg3[%add3A_4] : memref<16384xi32, #tpu.memory_space<hbm>> -> memref<128xi32, #tpu.memory_space<hbm>>
      tpu.wait_dma2 semaphore(%run_scoped3A : memref<!tpu.dma_semaphore, #tpu.memory_space<semaphore_mem>>) src(%dma_wait3A_36 : memref<128xi32, #tpu.memory_space<hbm>>) dst(%arg5 : memref<128xi32, #tpu.memory_space<vmem>>)
      tpu.yield
    }) : () -> ()
    %dma_start3A = arith.constant 0 : i32
    %dma_start3A_5 = arith.constant 0 : i32
    %dma_start3A_6 = tpu.memref_slice %arg2[%dma_start3A, %dma_start3A_5] : memref<30522x768xf32, #tpu.memory_space<hbm>> -> memref<30522x768xf32, #tpu.memory_space<hbm>>
    tpu.enqueue_indirect_dma source(%dma_start3A_6 : memref<30522x768xf32, #tpu.memory_space<hbm>>) target(%arg6 : memref<128x768xf32, #tpu.memory_space<vmem>>) offsets(%arg5 : memref<128xi32, #tpu.memory_space<vmem>>) semaphore(%arg7 : memref<!tpu.dma_semaphore, #tpu.memory_space<semaphore_mem>>)
    %dma_wait3A = arith.constant 0 : i32
    %dma_wait3A_7 = arith.constant 0 : i32
    %dma_wait3A_8 = tpu.memref_slice %arg2[%dma_wait3A, %dma_wait3A_7] : memref<30522x768xf32, #tpu.memory_space<hbm>> -> memref<30522x768xf32, #tpu.memory_space<hbm>>
    tpu.wait_indirect_dma semaphore(%arg7 : memref<!tpu.dma_semaphore, #tpu.memory_space<semaphore_mem>>) src(%dma_wait3A_8 : memref<30522x768xf32, #tpu.memory_space<hbm>>) dst(%arg6 : memref<128x768xf32, #tpu.memory_space<vmem>>)
    "tpu.region"() ({
      %run_scoped3A = tpu.sem_alloc : memref<!tpu.dma_semaphore, #tpu.memory_space<semaphore_mem>>
      %dma_start3A_33 = arith.constant 0 : i32
      %dma_start3A_34 = tpu.memref_slice %arg4[%add3A_4, %dma_start3A_33] : memref<16384x768xf32, #tpu.memory_space<hbm>> -> memref<128x768xf32, #tpu.memory_space<hbm>>
      %dma_start3A_35 = arith.constant 0 : i32
      %dma_start3A_36 = tpu.memref_slice %arg4[%add3A_4, %dma_start3A_35] : memref<16384x768xf32, #tpu.memory_space<hbm>> -> memref<128x768xf32, #tpu.memory_space<hbm>>
      tpu.enqueue_dma source(%arg6 : memref<128x768xf32, #tpu.memory_space<vmem>>) target(%dma_start3A_36 : memref<128x768xf32, #tpu.memory_space<hbm>>) target_semaphore(%run_scoped3A : memref<!tpu.dma_semaphore, #tpu.memory_space<semaphore_mem>>)
      %dma_wait3A_37 = arith.constant 0 : i32
      %dma_wait3A_38 = tpu.memref_slice %arg4[%add3A_4, %dma_wait3A_37] : memref<16384x768xf32, #tpu.memory_space<hbm>> -> memref<128x768xf32, #tpu.memory_space<hbm>>
      %dma_wait3A_39 = arith.constant 0 : i32
      %dma_wait3A_40 = tpu.memref_slice %arg4[%add3A_4, %dma_wait3A_39] : memref<16384x768xf32, #tpu.memory_space<hbm>> -> memref<128x768xf32, #tpu.memory_space<hbm>>
      tpu.wait_dma2 semaphore(%run_scoped3A : memref<!tpu.dma_semaphore, #tpu.memory_space<semaphore_mem>>) src(%arg6 : memref<128x768xf32, #tpu.memory_space<vmem>>) dst(%dma_wait3A_40 : memref<128x768xf32, #tpu.memory_space<hbm>>)
      tpu.yield
    }) : () -> ()
    %add3A_9 = arith.constant 128 : i32
    %add3A_10 = arith.addi %mul3A_2, %add3A_9 : i32
    "tpu.region"() ({
      %run_scoped3A = tpu.sem_alloc : memref<!tpu.dma_semaphore, #tpu.memory_space<semaphore_mem>>
      %dma_start3A_33 = tpu.memref_slice %arg3[%add3A_10] : memref<16384xi32, #tpu.memory_space<hbm>> -> memref<128xi32, #tpu.memory_space<hbm>>
      %dma_start3A_34 = tpu.memref_slice %arg3[%add3A_10] : memref<16384xi32, #tpu.memory_space<hbm>> -> memref<128xi32, #tpu.memory_space<hbm>>
      tpu.enqueue_dma source(%dma_start3A_34 : memref<128xi32, #tpu.memory_space<hbm>>) target(%arg5 : memref<128xi32, #tpu.memory_space<vmem>>) target_semaphore(%run_scoped3A : memref<!tpu.dma_semaphore, #tpu.memory_space<semaphore_mem>>)
      %dma_wait3A_35 = tpu.memref_slice %arg3[%add3A_10] : memref<16384xi32, #tpu.memory_space<hbm>> -> memref<128xi32, #tpu.memory_space<hbm>>
      %dma_wait3A_36 = tpu.memref_slice %arg3[%add3A_10] : memref<16384xi32, #tpu.memory_space<hbm>> -> memref<128xi32, #tpu.memory_space<hbm>>
      tpu.wait_dma2 semaphore(%run_scoped3A : memref<!tpu.dma_semaphore, #tpu.memory_space<semaphore_mem>>) src(%dma_wait3A_36 : memref<128xi32, #tpu.memory_space<hbm>>) dst(%arg5 : memref<128xi32, #tpu.memory_space<vmem>>)
      tpu.yield
    }) : () -> ()
    %dma_start3A_11 = arith.constant 0 : i32
    %dma_start3A_12 = arith.constant 0 : i32
    %dma_start3A_13 = tpu.memref_slice %arg2[%dma_start3A_11, %dma_start3A_12] : memref<30522x768xf32, #tpu.memory_space<hbm>> -> memref<30522x768xf32, #tpu.memory_space<hbm>>
    tpu.enqueue_indirect_dma source(%dma_start3A_13 : memref<30522x768xf32, #tpu.memory_space<hbm>>) target(%arg6 : memref<128x768xf32, #tpu.memory_space<vmem>>) offsets(%arg5 : memref<128xi32, #tpu.memory_space<vmem>>) semaphore(%arg7 : memref<!tpu.dma_semaphore, #tpu.memory_space<semaphore_mem>>)
    %dma_wait3A_14 = arith.constant 0 : i32
    %dma_wait3A_15 = arith.constant 0 : i32
    %dma_wait3A_16 = tpu.memref_slice %arg2[%dma_wait3A_14, %dma_wait3A_15] : memref<30522x768xf32, #tpu.memory_space<hbm>> -> memref<30522x768xf32, #tpu.memory_space<hbm>>
    tpu.wait_indirect_dma semaphore(%arg7 : memref<!tpu.dma_semaphore, #tpu.memory_space<semaphore_mem>>) src(%dma_wait3A_16 : memref<30522x768xf32, #tpu.memory_space<hbm>>) dst(%arg6 : memref<128x768xf32, #tpu.memory_space<vmem>>)
    "tpu.region"() ({
      %run_scoped3A = tpu.sem_alloc : memref<!tpu.dma_semaphore, #tpu.memory_space<semaphore_mem>>
      %dma_start3A_33 = arith.constant 0 : i32
      %dma_start3A_34 = tpu.memref_slice %arg4[%add3A_10, %dma_start3A_33] : memref<16384x768xf32, #tpu.memory_space<hbm>> -> memref<128x768xf32, #tpu.memory_space<hbm>>
      %dma_start3A_35 = arith.constant 0 : i32
      %dma_start3A_36 = tpu.memref_slice %arg4[%add3A_10, %dma_start3A_35] : memref<16384x768xf32, #tpu.memory_space<hbm>> -> memref<128x768xf32, #tpu.memory_space<hbm>>
      tpu.enqueue_dma source(%arg6 : memref<128x768xf32, #tpu.memory_space<vmem>>) target(%dma_start3A_36 : memref<128x768xf32, #tpu.memory_space<hbm>>) target_semaphore(%run_scoped3A : memref<!tpu.dma_semaphore, #tpu.memory_space<semaphore_mem>>)
      %dma_wait3A_37 = arith.constant 0 : i32
      %dma_wait3A_38 = tpu.memref_slice %arg4[%add3A_10, %dma_wait3A_37] : memref<16384x768xf32, #tpu.memory_space<hbm>> -> memref<128x768xf32, #tpu.memory_space<hbm>>
      %dma_wait3A_39 = arith.constant 0 : i32
      %dma_wait3A_40 = tpu.memref_slice %arg4[%add3A_10, %dma_wait3A_39] : memref<16384x768xf32, #tpu.memory_space<hbm>> -> memref<128x768xf32, #tpu.memory_space<hbm>>
      tpu.wait_dma2 semaphore(%run_scoped3A : memref<!tpu.dma_semaphore, #tpu.memory_space<semaphore_mem>>) src(%arg6 : memref<128x768xf32, #tpu.memory_space<vmem>>) dst(%dma_wait3A_40 : memref<128x768xf32, #tpu.memory_space<hbm>>)
      tpu.yield
    }) : () -> ()
    %add3A_17 = arith.constant 256 : i32
    %add3A_18 = arith.addi %mul3A_2, %add3A_17 : i32
    "tpu.region"() ({
      %run_scoped3A = tpu.sem_alloc : memref<!tpu.dma_semaphore, #tpu.memory_space<semaphore_mem>>
      %dma_start3A_33 = tpu.memref_slice %arg3[%add3A_18] : memref<16384xi32, #tpu.memory_space<hbm>> -> memref<128xi32, #tpu.memory_space<hbm>>
      %dma_start3A_34 = tpu.memref_slice %arg3[%add3A_18] : memref<16384xi32, #tpu.memory_space<hbm>> -> memref<128xi32, #tpu.memory_space<hbm>>
      tpu.enqueue_dma source(%dma_start3A_34 : memref<128xi32, #tpu.memory_space<hbm>>) target(%arg5 : memref<128xi32, #tpu.memory_space<vmem>>) target_semaphore(%run_scoped3A : memref<!tpu.dma_semaphore, #tpu.memory_space<semaphore_mem>>)
      %dma_wait3A_35 = tpu.memref_slice %arg3[%add3A_18] : memref<16384xi32, #tpu.memory_space<hbm>> -> memref<128xi32, #tpu.memory_space<hbm>>
      %dma_wait3A_36 = tpu.memref_slice %arg3[%add3A_18] : memref<16384xi32, #tpu.memory_space<hbm>> -> memref<128xi32, #tpu.memory_space<hbm>>
      tpu.wait_dma2 semaphore(%run_scoped3A : memref<!tpu.dma_semaphore, #tpu.memory_space<semaphore_mem>>) src(%dma_wait3A_36 : memref<128xi32, #tpu.memory_space<hbm>>) dst(%arg5 : memref<128xi32, #tpu.memory_space<vmem>>)
      tpu.yield
    }) : () -> ()
    %dma_start3A_19 = arith.constant 0 : i32
    %dma_start3A_20 = arith.constant 0 : i32
    %dma_start3A_21 = tpu.memref_slice %arg2[%dma_start3A_19, %dma_start3A_20] : memref<30522x768xf32, #tpu.memory_space<hbm>> -> memref<30522x768xf32, #tpu.memory_space<hbm>>
    tpu.enqueue_indirect_dma source(%dma_start3A_21 : memref<30522x768xf32, #tpu.memory_space<hbm>>) target(%arg6 : memref<128x768xf32, #tpu.memory_space<vmem>>) offsets(%arg5 : memref<128xi32, #tpu.memory_space<vmem>>) semaphore(%arg7 : memref<!tpu.dma_semaphore, #tpu.memory_space<semaphore_mem>>)
    %dma_wait3A_22 = arith.constant 0 : i32
    %dma_wait3A_23 = arith.constant 0 : i32
    %dma_wait3A_24 = tpu.memref_slice %arg2[%dma_wait3A_22, %dma_wait3A_23] : memref<30522x768xf32, #tpu.memory_space<hbm>> -> memref<30522x768xf32, #tpu.memory_space<hbm>>
    tpu.wait_indirect_dma semaphore(%arg7 : memref<!tpu.dma_semaphore, #tpu.memory_space<semaphore_mem>>) src(%dma_wait3A_24 : memref<30522x768xf32, #tpu.memory_space<hbm>>) dst(%arg6 : memref<128x768xf32, #tpu.memory_space<vmem>>)
    "tpu.region"() ({
      %run_scoped3A = tpu.sem_alloc : memref<!tpu.dma_semaphore, #tpu.memory_space<semaphore_mem>>
      %dma_start3A_33 = arith.constant 0 : i32
      %dma_start3A_34 = tpu.memref_slice %arg4[%add3A_18, %dma_start3A_33] : memref<16384x768xf32, #tpu.memory_space<hbm>> -> memref<128x768xf32, #tpu.memory_space<hbm>>
      %dma_start3A_35 = arith.constant 0 : i32
      %dma_start3A_36 = tpu.memref_slice %arg4[%add3A_18, %dma_start3A_35] : memref<16384x768xf32, #tpu.memory_space<hbm>> -> memref<128x768xf32, #tpu.memory_space<hbm>>
      tpu.enqueue_dma source(%arg6 : memref<128x768xf32, #tpu.memory_space<vmem>>) target(%dma_start3A_36 : memref<128x768xf32, #tpu.memory_space<hbm>>) target_semaphore(%run_scoped3A : memref<!tpu.dma_semaphore, #tpu.memory_space<semaphore_mem>>)
      %dma_wait3A_37 = arith.constant 0 : i32
      %dma_wait3A_38 = tpu.memref_slice %arg4[%add3A_18, %dma_wait3A_37] : memref<16384x768xf32, #tpu.memory_space<hbm>> -> memref<128x768xf32, #tpu.memory_space<hbm>>
      %dma_wait3A_39 = arith.constant 0 : i32
      %dma_wait3A_40 = tpu.memref_slice %arg4[%add3A_18, %dma_wait3A_39] : memref<16384x768xf32, #tpu.memory_space<hbm>> -> memref<128x768xf32, #tpu.memory_space<hbm>>
      tpu.wait_dma2 semaphore(%run_scoped3A : memref<!tpu.dma_semaphore, #tpu.memory_space<semaphore_mem>>) src(%arg6 : memref<128x768xf32, #tpu.memory_space<vmem>>) dst(%dma_wait3A_40 : memref<128x768xf32, #tpu.memory_space<hbm>>)
      tpu.yield
    }) : () -> ()
    %add3A_25 = arith.constant 384 : i32
    %add3A_26 = arith.addi %mul3A_2, %add3A_25 : i32
    "tpu.region"() ({
      %run_scoped3A = tpu.sem_alloc : memref<!tpu.dma_semaphore, #tpu.memory_space<semaphore_mem>>
      %dma_start3A_33 = tpu.memref_slice %arg3[%add3A_26] : memref<16384xi32, #tpu.memory_space<hbm>> -> memref<128xi32, #tpu.memory_space<hbm>>
      %dma_start3A_34 = tpu.memref_slice %arg3[%add3A_26] : memref<16384xi32, #tpu.memory_space<hbm>> -> memref<128xi32, #tpu.memory_space<hbm>>
      tpu.enqueue_dma source(%dma_start3A_34 : memref<128xi32, #tpu.memory_space<hbm>>) target(%arg5 : memref<128xi32, #tpu.memory_space<vmem>>) target_semaphore(%run_scoped3A : memref<!tpu.dma_semaphore, #tpu.memory_space<semaphore_mem>>)
      %dma_wait3A_35 = tpu.memref_slice %arg3[%add3A_26] : memref<16384xi32, #tpu.memory_space<hbm>> -> memref<128xi32, #tpu.memory_space<hbm>>
      %dma_wait3A_36 = tpu.memref_slice %arg3[%add3A_26] : memref<16384xi32, #tpu.memory_space<hbm>> -> memref<128xi32, #tpu.memory_space<hbm>>
      tpu.wait_dma2 semaphore(%run_scoped3A : memref<!tpu.dma_semaphore, #tpu.memory_space<semaphore_mem>>) src(%dma_wait3A_36 : memref<128xi32, #tpu.memory_space<hbm>>) dst(%arg5 : memref<128xi32, #tpu.memory_space<vmem>>)
      tpu.yield
    }) : () -> ()
    %dma_start3A_27 = arith.constant 0 : i32
    %dma_start3A_28 = arith.constant 0 : i32
    %dma_start3A_29 = tpu.memref_slice %arg2[%dma_start3A_27, %dma_start3A_28] : memref<30522x768xf32, #tpu.memory_space<hbm>> -> memref<30522x768xf32, #tpu.memory_space<hbm>>
    tpu.enqueue_indirect_dma source(%dma_start3A_29 : memref<30522x768xf32, #tpu.memory_space<hbm>>) target(%arg6 : memref<128x768xf32, #tpu.memory_space<vmem>>) offsets(%arg5 : memref<128xi32, #tpu.memory_space<vmem>>) semaphore(%arg7 : memref<!tpu.dma_semaphore, #tpu.memory_space<semaphore_mem>>)
    %dma_wait3A_30 = arith.constant 0 : i32
    %dma_wait3A_31 = arith.constant 0 : i32
    %dma_wait3A_32 = tpu.memref_slice %arg2[%dma_wait3A_30, %dma_wait3A_31] : memref<30522x768xf32, #tpu.memory_space<hbm>> -> memref<30522x768xf32, #tpu.memory_space<hbm>>
    tpu.wait_indirect_dma semaphore(%arg7 : memref<!tpu.dma_semaphore, #tpu.memory_space<semaphore_mem>>) src(%dma_wait3A_32 : memref<30522x768xf32, #tpu.memory_space<hbm>>) dst(%arg6 : memref<128x768xf32, #tpu.memory_space<vmem>>)
    "tpu.region"() ({
      %run_scoped3A = tpu.sem_alloc : memref<!tpu.dma_semaphore, #tpu.memory_space<semaphore_mem>>
      %dma_start3A_33 = arith.constant 0 : i32
      %dma_start3A_34 = tpu.memref_slice %arg4[%add3A_26, %dma_start3A_33] : memref<16384x768xf32, #tpu.memory_space<hbm>> -> memref<128x768xf32, #tpu.memory_space<hbm>>
      %dma_start3A_35 = arith.constant 0 : i32
      %dma_start3A_36 = tpu.memref_slice %arg4[%add3A_26, %dma_start3A_35] : memref<16384x768xf32, #tpu.memory_space<hbm>> -> memref<128x768xf32, #tpu.memory_space<hbm>>
      tpu.enqueue_dma source(%arg6 : memref<128x768xf32, #tpu.memory_space<vmem>>) target(%dma_start3A_36 : memref<128x768xf32, #tpu.memory_space<hbm>>) target_semaphore(%run_scoped3A : memref<!tpu.dma_semaphore, #tpu.memory_space<semaphore_mem>>)
      %dma_wait3A_37 = arith.constant 0 : i32
      %dma_wait3A_38 = tpu.memref_slice %arg4[%add3A_26, %dma_wait3A_37] : memref<16384x768xf32, #tpu.memory_space<hbm>> -> memref<128x768xf32, #tpu.memory_space<hbm>>
      %dma_wait3A_39 = arith.constant 0 : i32
      %dma_wait3A_40 = tpu.memref_slice %arg4[%add3A_26, %dma_wait3A_39] : memref<16384x768xf32, #tpu.memory_space<hbm>> -> memref<128x768xf32, #tpu.memory_space<hbm>>
      tpu.wait_dma2 semaphore(%run_scoped3A : memref<!tpu.dma_semaphore, #tpu.memory_space<semaphore_mem>>) src(%arg6 : memref<128x768xf32, #tpu.memory_space<vmem>>) dst(%dma_wait3A_40 : memref<128x768xf32, #tpu.memory_space<hbm>>)
      tpu.yield
    }) : () -> ()
    return
  }
}

module attributes {stable_mosaic.version = 14 : i64} {
  func.func @_char_body(%arg0: i32, %arg1: memref<1x1024x16xi32, #tpu.memory_space<vmem>>, %arg2: memref<100x50xf32, #tpu.memory_space<vmem>>, %arg3: memref<150x768xf32, #tpu.memory_space<vmem>>, %arg4: memref<1x768xf32, #tpu.memory_space<vmem>>, %arg5: memref<1024x768xbf16, #tpu.memory_space<vmem>>) attributes {dimension_semantics = [#tpu.dimension_semantics<arbitrary>], iteration_bounds = array<i64: 16>, scalar_prefetch = 0 : i64, scratch_operands = 0 : i64, tpu.core_type = #tpu.core_type<tc>, window_params = [{transform_indices = @transform_0, window_bounds = array<i64: 1, 1024, 16>}, {pipeline_mode = #tpu.pipeline_mode<synchronous>, transform_indices = @transform_1, window_bounds = array<i64: 100, 50>}, {pipeline_mode = #tpu.pipeline_mode<synchronous>, transform_indices = @transform_2, window_bounds = array<i64: 150, 768>}, {pipeline_mode = #tpu.pipeline_mode<synchronous>, transform_indices = @transform_3, window_bounds = array<i64: 1, 768>}, {transform_indices = @transform_4, window_bounds = array<i64: 1024, 768>}]} {
    %get3A = arith.constant 0 : index
    %get3A_0 = arith.constant 0 : index
    %get3A_1 = arith.constant 0 : index
    %get3A_2 = vector.load %arg1[%get3A, %get3A_0, %get3A_1] : memref<1x1024x16xi32, #tpu.memory_space<vmem>>, vector<1x1024x16xi32>
    %reshape3A = vector.shape_cast %get3A_2 : vector<1x1024x16xi32> to vector<1024x16xi32>
    %convert_element_type3A = arith.sitofp %reshape3A : vector<1024x16xi32> to vector<1024x16xbf16>
    %iota3A = tpu.iota {dimensions = array<i32: 1>} : vector<1024x100xi32>
    %convert_element_type3A_3 = arith.sitofp %iota3A : vector<1024x100xi32> to vector<1024x100xbf16>
    %broadcast_in_dim3A = arith.constant 1.000000e+00 : bf16
    %broadcast_in_dim3A_4 = vector.broadcast %broadcast_in_dim3A : bf16 to vector<1024x100xbf16>
    %broadcast_in_dim3A_5 = arith.constant 0.000000e+00 : bf16
    %broadcast_in_dim3A_6 = vector.broadcast %broadcast_in_dim3A_5 : bf16 to vector<1024x100xbf16>
    %slice3A = vector.extract_strided_slice %convert_element_type3A {offsets = [0, 0], sizes = [1024, 1], strides = [1, 1]} : vector<1024x16xbf16> to vector<1024x1xbf16>
    %eq3A = vector.broadcast %slice3A : vector<1024x1xbf16> to vector<1024x100xbf16>
    %eq3A_7 = arith.cmpf oeq, %convert_element_type3A_3, %eq3A : vector<1024x100xbf16>
    %select_n3A = arith.select %eq3A_7, %broadcast_in_dim3A_4, %broadcast_in_dim3A_6 : vector<1024x100xi1>, vector<1024x100xbf16>
    %slice3A_8 = vector.extract_strided_slice %convert_element_type3A {offsets = [0, 1], sizes = [1024, 1], strides = [1, 1]} : vector<1024x16xbf16> to vector<1024x1xbf16>
    %eq3A_9 = vector.broadcast %slice3A_8 : vector<1024x1xbf16> to vector<1024x100xbf16>
    %eq3A_10 = arith.cmpf oeq, %convert_element_type3A_3, %eq3A_9 : vector<1024x100xbf16>
    %select_n3A_11 = arith.select %eq3A_10, %broadcast_in_dim3A_4, %broadcast_in_dim3A_6 : vector<1024x100xi1>, vector<1024x100xbf16>
    %slice3A_12 = vector.extract_strided_slice %convert_element_type3A {offsets = [0, 2], sizes = [1024, 1], strides = [1, 1]} : vector<1024x16xbf16> to vector<1024x1xbf16>
    %eq3A_13 = vector.broadcast %slice3A_12 : vector<1024x1xbf16> to vector<1024x100xbf16>
    %eq3A_14 = arith.cmpf oeq, %convert_element_type3A_3, %eq3A_13 : vector<1024x100xbf16>
    %select_n3A_15 = arith.select %eq3A_14, %broadcast_in_dim3A_4, %broadcast_in_dim3A_6 : vector<1024x100xi1>, vector<1024x100xbf16>
    %slice3A_16 = vector.extract_strided_slice %convert_element_type3A {offsets = [0, 3], sizes = [1024, 1], strides = [1, 1]} : vector<1024x16xbf16> to vector<1024x1xbf16>
    %eq3A_17 = vector.broadcast %slice3A_16 : vector<1024x1xbf16> to vector<1024x100xbf16>
    %eq3A_18 = arith.cmpf oeq, %convert_element_type3A_3, %eq3A_17 : vector<1024x100xbf16>
    %select_n3A_19 = arith.select %eq3A_18, %broadcast_in_dim3A_4, %broadcast_in_dim3A_6 : vector<1024x100xi1>, vector<1024x100xbf16>
    %slice3A_20 = vector.extract_strided_slice %convert_element_type3A {offsets = [0, 4], sizes = [1024, 1], strides = [1, 1]} : vector<1024x16xbf16> to vector<1024x1xbf16>
    %eq3A_21 = vector.broadcast %slice3A_20 : vector<1024x1xbf16> to vector<1024x100xbf16>
    %eq3A_22 = arith.cmpf oeq, %convert_element_type3A_3, %eq3A_21 : vector<1024x100xbf16>
    %select_n3A_23 = arith.select %eq3A_22, %broadcast_in_dim3A_4, %broadcast_in_dim3A_6 : vector<1024x100xi1>, vector<1024x100xbf16>
    %slice3A_24 = vector.extract_strided_slice %convert_element_type3A {offsets = [0, 5], sizes = [1024, 1], strides = [1, 1]} : vector<1024x16xbf16> to vector<1024x1xbf16>
    %eq3A_25 = vector.broadcast %slice3A_24 : vector<1024x1xbf16> to vector<1024x100xbf16>
    %eq3A_26 = arith.cmpf oeq, %convert_element_type3A_3, %eq3A_25 : vector<1024x100xbf16>
    %select_n3A_27 = arith.select %eq3A_26, %broadcast_in_dim3A_4, %broadcast_in_dim3A_6 : vector<1024x100xi1>, vector<1024x100xbf16>
    %slice3A_28 = vector.extract_strided_slice %convert_element_type3A {offsets = [0, 6], sizes = [1024, 1], strides = [1, 1]} : vector<1024x16xbf16> to vector<1024x1xbf16>
    %eq3A_29 = vector.broadcast %slice3A_28 : vector<1024x1xbf16> to vector<1024x100xbf16>
    %eq3A_30 = arith.cmpf oeq, %convert_element_type3A_3, %eq3A_29 : vector<1024x100xbf16>
    %select_n3A_31 = arith.select %eq3A_30, %broadcast_in_dim3A_4, %broadcast_in_dim3A_6 : vector<1024x100xi1>, vector<1024x100xbf16>
    %slice3A_32 = vector.extract_strided_slice %convert_element_type3A {offsets = [0, 7], sizes = [1024, 1], strides = [1, 1]} : vector<1024x16xbf16> to vector<1024x1xbf16>
    %eq3A_33 = vector.broadcast %slice3A_32 : vector<1024x1xbf16> to vector<1024x100xbf16>
    %eq3A_34 = arith.cmpf oeq, %convert_element_type3A_3, %eq3A_33 : vector<1024x100xbf16>
    %select_n3A_35 = arith.select %eq3A_34, %broadcast_in_dim3A_4, %broadcast_in_dim3A_6 : vector<1024x100xi1>, vector<1024x100xbf16>
    %slice3A_36 = vector.extract_strided_slice %convert_element_type3A {offsets = [0, 8], sizes = [1024, 1], strides = [1, 1]} : vector<1024x16xbf16> to vector<1024x1xbf16>
    %eq3A_37 = vector.broadcast %slice3A_36 : vector<1024x1xbf16> to vector<1024x100xbf16>
    %eq3A_38 = arith.cmpf oeq, %convert_element_type3A_3, %eq3A_37 : vector<1024x100xbf16>
    %select_n3A_39 = arith.select %eq3A_38, %broadcast_in_dim3A_4, %broadcast_in_dim3A_6 : vector<1024x100xi1>, vector<1024x100xbf16>
    %slice3A_40 = vector.extract_strided_slice %convert_element_type3A {offsets = [0, 9], sizes = [1024, 1], strides = [1, 1]} : vector<1024x16xbf16> to vector<1024x1xbf16>
    %eq3A_41 = vector.broadcast %slice3A_40 : vector<1024x1xbf16> to vector<1024x100xbf16>
    %eq3A_42 = arith.cmpf oeq, %convert_element_type3A_3, %eq3A_41 : vector<1024x100xbf16>
    %select_n3A_43 = arith.select %eq3A_42, %broadcast_in_dim3A_4, %broadcast_in_dim3A_6 : vector<1024x100xi1>, vector<1024x100xbf16>
    %slice3A_44 = vector.extract_strided_slice %convert_element_type3A {offsets = [0, 10], sizes = [1024, 1], strides = [1, 1]} : vector<1024x16xbf16> to vector<1024x1xbf16>
    %eq3A_45 = vector.broadcast %slice3A_44 : vector<1024x1xbf16> to vector<1024x100xbf16>
    %eq3A_46 = arith.cmpf oeq, %convert_element_type3A_3, %eq3A_45 : vector<1024x100xbf16>
    %select_n3A_47 = arith.select %eq3A_46, %broadcast_in_dim3A_4, %broadcast_in_dim3A_6 : vector<1024x100xi1>, vector<1024x100xbf16>
    %slice3A_48 = vector.extract_strided_slice %convert_element_type3A {offsets = [0, 11], sizes = [1024, 1], strides = [1, 1]} : vector<1024x16xbf16> to vector<1024x1xbf16>
    %eq3A_49 = vector.broadcast %slice3A_48 : vector<1024x1xbf16> to vector<1024x100xbf16>
    %eq3A_50 = arith.cmpf oeq, %convert_element_type3A_3, %eq3A_49 : vector<1024x100xbf16>
    %select_n3A_51 = arith.select %eq3A_50, %broadcast_in_dim3A_4, %broadcast_in_dim3A_6 : vector<1024x100xi1>, vector<1024x100xbf16>
    %slice3A_52 = vector.extract_strided_slice %convert_element_type3A {offsets = [0, 12], sizes = [1024, 1], strides = [1, 1]} : vector<1024x16xbf16> to vector<1024x1xbf16>
    %eq3A_53 = vector.broadcast %slice3A_52 : vector<1024x1xbf16> to vector<1024x100xbf16>
    %eq3A_54 = arith.cmpf oeq, %convert_element_type3A_3, %eq3A_53 : vector<1024x100xbf16>
    %select_n3A_55 = arith.select %eq3A_54, %broadcast_in_dim3A_4, %broadcast_in_dim3A_6 : vector<1024x100xi1>, vector<1024x100xbf16>
    %slice3A_56 = vector.extract_strided_slice %convert_element_type3A {offsets = [0, 13], sizes = [1024, 1], strides = [1, 1]} : vector<1024x16xbf16> to vector<1024x1xbf16>
    %eq3A_57 = vector.broadcast %slice3A_56 : vector<1024x1xbf16> to vector<1024x100xbf16>
    %eq3A_58 = arith.cmpf oeq, %convert_element_type3A_3, %eq3A_57 : vector<1024x100xbf16>
    %select_n3A_59 = arith.select %eq3A_58, %broadcast_in_dim3A_4, %broadcast_in_dim3A_6 : vector<1024x100xi1>, vector<1024x100xbf16>
    %slice3A_60 = vector.extract_strided_slice %convert_element_type3A {offsets = [0, 14], sizes = [1024, 1], strides = [1, 1]} : vector<1024x16xbf16> to vector<1024x1xbf16>
    %eq3A_61 = vector.broadcast %slice3A_60 : vector<1024x1xbf16> to vector<1024x100xbf16>
    %eq3A_62 = arith.cmpf oeq, %convert_element_type3A_3, %eq3A_61 : vector<1024x100xbf16>
    %select_n3A_63 = arith.select %eq3A_62, %broadcast_in_dim3A_4, %broadcast_in_dim3A_6 : vector<1024x100xi1>, vector<1024x100xbf16>
    %slice3A_64 = vector.extract_strided_slice %convert_element_type3A {offsets = [0, 15], sizes = [1024, 1], strides = [1, 1]} : vector<1024x16xbf16> to vector<1024x1xbf16>
    %eq3A_65 = vector.broadcast %slice3A_64 : vector<1024x1xbf16> to vector<1024x100xbf16>
    %eq3A_66 = arith.cmpf oeq, %convert_element_type3A_3, %eq3A_65 : vector<1024x100xbf16>
    %select_n3A_67 = arith.select %eq3A_66, %broadcast_in_dim3A_4, %broadcast_in_dim3A_6 : vector<1024x100xi1>, vector<1024x100xbf16>
    %concatenate3A = tpu.concatenate %select_n3A, %select_n3A_11, %select_n3A_15, %select_n3A_19, %select_n3A_23, %select_n3A_27, %select_n3A_31, %select_n3A_35, %select_n3A_39, %select_n3A_43, %select_n3A_47, %select_n3A_51, %select_n3A_55, %select_n3A_59, %select_n3A_63, %select_n3A_67 in 0 : vector<1024x100xbf16>, vector<1024x100xbf16>, vector<1024x100xbf16>, vector<1024x100xbf16>, vector<1024x100xbf16>, vector<1024x100xbf16>, vector<1024x100xbf16>, vector<1024x100xbf16>, vector<1024x100xbf16>, vector<1024x100xbf16>, vector<1024x100xbf16>, vector<1024x100xbf16>, vector<1024x100xbf16>, vector<1024x100xbf16>, vector<1024x100xbf16>, vector<1024x100xbf16> -> vector<16384x100xbf16>
    %get3A_68 = arith.constant 0 : index
    %get3A_69 = arith.constant 0 : index
    %get3A_70 = vector.load %arg2[%get3A_68, %get3A_69] : memref<100x50xf32, #tpu.memory_space<vmem>>, vector<100x50xf32>
    %convert_element_type3A_71 = arith.truncf %get3A_70 : vector<100x50xf32> to vector<100x50xbf16>
    %dot_general3A = arith.constant dense<0.000000e+00> : vector<16384x50xf32>
    %dot_general3A_72 = tpu.matmul %concatenate3A, %convert_element_type3A_71, %dot_general3A {dimension_numbers = #tpu.dot_dimension_numbers<[1], [0], [0], [1], [0, 0, 1, 1], [], []>, transpose_lhs_hint = false} : vector<16384x100xbf16>, vector<100x50xbf16>, vector<16384x50xf32> -> vector<16384x50xf32>
    %convert_element_type3A_73 = arith.truncf %dot_general3A_72 : vector<16384x50xf32> to vector<16384x50xf8E4M3FN>
    %reshape3A_74 = vector.shape_cast %convert_element_type3A_73 : vector<16384x50xf8E4M3FN> to vector<16x1024x50xf8E4M3FN>
    %broadcast_in_dim3A_75 = arith.constant 0.000000e+00 : f8E4M3FN
    %broadcast_in_dim3A_76 = vector.broadcast %broadcast_in_dim3A_75 : f8E4M3FN to vector<1x1024x50xf8E4M3FN>
    %slice3A_77 = vector.extract_strided_slice %reshape3A_74 {offsets = [0, 0, 0], sizes = [15, 1024, 50], strides = [1, 1, 1]} : vector<16x1024x50xf8E4M3FN> to vector<15x1024x50xf8E4M3FN>
    %concatenate3A_78 = tpu.concatenate %broadcast_in_dim3A_76, %slice3A_77 in 0 : vector<1x1024x50xf8E4M3FN>, vector<15x1024x50xf8E4M3FN> -> vector<16x1024x50xf8E4M3FN>
    %slice3A_79 = vector.extract_strided_slice %reshape3A_74 {offsets = [1, 0, 0], sizes = [15, 1024, 50], strides = [1, 1, 1]} : vector<16x1024x50xf8E4M3FN> to vector<15x1024x50xf8E4M3FN>
    %concatenate3A_80 = tpu.concatenate %slice3A_79, %broadcast_in_dim3A_76 in 0 : vector<15x1024x50xf8E4M3FN>, vector<1x1024x50xf8E4M3FN> -> vector<16x1024x50xf8E4M3FN>
    %concatenate3A_81 = tpu.concatenate %concatenate3A_78, %reshape3A_74, %concatenate3A_80 in 2 : vector<16x1024x50xf8E4M3FN>, vector<16x1024x50xf8E4M3FN>, vector<16x1024x50xf8E4M3FN> -> vector<16x1024x150xf8E4M3FN>
    %get3A_82 = arith.constant 0 : index
    %get3A_83 = arith.constant 0 : index
    %get3A_84 = vector.load %arg3[%get3A_82, %get3A_83] : memref<150x768xf32, #tpu.memory_space<vmem>>, vector<150x768xf32>
    %convert_element_type3A_85 = arith.truncf %get3A_84 : vector<150x768xf32> to vector<150x768xf8E4M3FN>
    %slice3A_86 = vector.extract_strided_slice %concatenate3A_81 {offsets = [0, 0, 0], sizes = [2, 1024, 150], strides = [1, 1, 1]} : vector<16x1024x150xf8E4M3FN> to vector<2x1024x150xf8E4M3FN>
    %reshape3A_87 = vector.shape_cast %slice3A_86 : vector<2x1024x150xf8E4M3FN> to vector<2048x150xf8E4M3FN>
    %dot_general3A_88 = arith.constant dense<0.000000e+00> : vector<2048x768xf32>
    %dot_general3A_89 = tpu.matmul %reshape3A_87, %convert_element_type3A_85, %dot_general3A_88 {dimension_numbers = #tpu.dot_dimension_numbers<[1], [0], [0], [1], [0, 0, 1, 1], [], []>, transpose_lhs_hint = false} : vector<2048x150xf8E4M3FN>, vector<150x768xf8E4M3FN>, vector<2048x768xf32> -> vector<2048x768xf32>
    %reshape3A_90 = vector.shape_cast %dot_general3A_89 : vector<2048x768xf32> to vector<2x1024x768xf32>
    %reduce_max3A = arith.constant dense<0xFF800000> : vector<1024x768xf32>
    %reduce_max3A_91 = vector.multi_reduction <maximumf>, %reshape3A_90, %reduce_max3A [0] : vector<2x1024x768xf32> to vector<1024x768xf32>
    %slice3A_92 = vector.extract_strided_slice %concatenate3A_81 {offsets = [2, 0, 0], sizes = [2, 1024, 150], strides = [1, 1, 1]} : vector<16x1024x150xf8E4M3FN> to vector<2x1024x150xf8E4M3FN>
    %reshape3A_93 = vector.shape_cast %slice3A_92 : vector<2x1024x150xf8E4M3FN> to vector<2048x150xf8E4M3FN>
    %dot_general3A_94 = arith.constant dense<0.000000e+00> : vector<2048x768xf32>
    %dot_general3A_95 = tpu.matmul %reshape3A_93, %convert_element_type3A_85, %dot_general3A_94 {dimension_numbers = #tpu.dot_dimension_numbers<[1], [0], [0], [1], [0, 0, 1, 1], [], []>, transpose_lhs_hint = false} : vector<2048x150xf8E4M3FN>, vector<150x768xf8E4M3FN>, vector<2048x768xf32> -> vector<2048x768xf32>
    %reshape3A_96 = vector.shape_cast %dot_general3A_95 : vector<2048x768xf32> to vector<2x1024x768xf32>
    %reduce_max3A_97 = arith.constant dense<0xFF800000> : vector<1024x768xf32>
    %reduce_max3A_98 = vector.multi_reduction <maximumf>, %reshape3A_96, %reduce_max3A_97 [0] : vector<2x1024x768xf32> to vector<1024x768xf32>
    %max3A = arith.maximumf %reduce_max3A_91, %reduce_max3A_98 : vector<1024x768xf32>
    %slice3A_99 = vector.extract_strided_slice %concatenate3A_81 {offsets = [4, 0, 0], sizes = [2, 1024, 150], strides = [1, 1, 1]} : vector<16x1024x150xf8E4M3FN> to vector<2x1024x150xf8E4M3FN>
    %reshape3A_100 = vector.shape_cast %slice3A_99 : vector<2x1024x150xf8E4M3FN> to vector<2048x150xf8E4M3FN>
    %dot_general3A_101 = arith.constant dense<0.000000e+00> : vector<2048x768xf32>
    %dot_general3A_102 = tpu.matmul %reshape3A_100, %convert_element_type3A_85, %dot_general3A_101 {dimension_numbers = #tpu.dot_dimension_numbers<[1], [0], [0], [1], [0, 0, 1, 1], [], []>, transpose_lhs_hint = false} : vector<2048x150xf8E4M3FN>, vector<150x768xf8E4M3FN>, vector<2048x768xf32> -> vector<2048x768xf32>
    %reshape3A_103 = vector.shape_cast %dot_general3A_102 : vector<2048x768xf32> to vector<2x1024x768xf32>
    %reduce_max3A_104 = arith.constant dense<0xFF800000> : vector<1024x768xf32>
    %reduce_max3A_105 = vector.multi_reduction <maximumf>, %reshape3A_103, %reduce_max3A_104 [0] : vector<2x1024x768xf32> to vector<1024x768xf32>
    %max3A_106 = arith.maximumf %max3A, %reduce_max3A_105 : vector<1024x768xf32>
    %slice3A_107 = vector.extract_strided_slice %concatenate3A_81 {offsets = [6, 0, 0], sizes = [2, 1024, 150], strides = [1, 1, 1]} : vector<16x1024x150xf8E4M3FN> to vector<2x1024x150xf8E4M3FN>
    %reshape3A_108 = vector.shape_cast %slice3A_107 : vector<2x1024x150xf8E4M3FN> to vector<2048x150xf8E4M3FN>
    %dot_general3A_109 = arith.constant dense<0.000000e+00> : vector<2048x768xf32>
    %dot_general3A_110 = tpu.matmul %reshape3A_108, %convert_element_type3A_85, %dot_general3A_109 {dimension_numbers = #tpu.dot_dimension_numbers<[1], [0], [0], [1], [0, 0, 1, 1], [], []>, transpose_lhs_hint = false} : vector<2048x150xf8E4M3FN>, vector<150x768xf8E4M3FN>, vector<2048x768xf32> -> vector<2048x768xf32>
    %reshape3A_111 = vector.shape_cast %dot_general3A_110 : vector<2048x768xf32> to vector<2x1024x768xf32>
    %reduce_max3A_112 = arith.constant dense<0xFF800000> : vector<1024x768xf32>
    %reduce_max3A_113 = vector.multi_reduction <maximumf>, %reshape3A_111, %reduce_max3A_112 [0] : vector<2x1024x768xf32> to vector<1024x768xf32>
    %max3A_114 = arith.maximumf %max3A_106, %reduce_max3A_113 : vector<1024x768xf32>
    %slice3A_115 = vector.extract_strided_slice %concatenate3A_81 {offsets = [8, 0, 0], sizes = [2, 1024, 150], strides = [1, 1, 1]} : vector<16x1024x150xf8E4M3FN> to vector<2x1024x150xf8E4M3FN>
    %reshape3A_116 = vector.shape_cast %slice3A_115 : vector<2x1024x150xf8E4M3FN> to vector<2048x150xf8E4M3FN>
    %dot_general3A_117 = arith.constant dense<0.000000e+00> : vector<2048x768xf32>
    %dot_general3A_118 = tpu.matmul %reshape3A_116, %convert_element_type3A_85, %dot_general3A_117 {dimension_numbers = #tpu.dot_dimension_numbers<[1], [0], [0], [1], [0, 0, 1, 1], [], []>, transpose_lhs_hint = false} : vector<2048x150xf8E4M3FN>, vector<150x768xf8E4M3FN>, vector<2048x768xf32> -> vector<2048x768xf32>
    %reshape3A_119 = vector.shape_cast %dot_general3A_118 : vector<2048x768xf32> to vector<2x1024x768xf32>
    %reduce_max3A_120 = arith.constant dense<0xFF800000> : vector<1024x768xf32>
    %reduce_max3A_121 = vector.multi_reduction <maximumf>, %reshape3A_119, %reduce_max3A_120 [0] : vector<2x1024x768xf32> to vector<1024x768xf32>
    %max3A_122 = arith.maximumf %max3A_114, %reduce_max3A_121 : vector<1024x768xf32>
    %slice3A_123 = vector.extract_strided_slice %concatenate3A_81 {offsets = [10, 0, 0], sizes = [2, 1024, 150], strides = [1, 1, 1]} : vector<16x1024x150xf8E4M3FN> to vector<2x1024x150xf8E4M3FN>
    %reshape3A_124 = vector.shape_cast %slice3A_123 : vector<2x1024x150xf8E4M3FN> to vector<2048x150xf8E4M3FN>
    %dot_general3A_125 = arith.constant dense<0.000000e+00> : vector<2048x768xf32>
    %dot_general3A_126 = tpu.matmul %reshape3A_124, %convert_element_type3A_85, %dot_general3A_125 {dimension_numbers = #tpu.dot_dimension_numbers<[1], [0], [0], [1], [0, 0, 1, 1], [], []>, transpose_lhs_hint = false} : vector<2048x150xf8E4M3FN>, vector<150x768xf8E4M3FN>, vector<2048x768xf32> -> vector<2048x768xf32>
    %reshape3A_127 = vector.shape_cast %dot_general3A_126 : vector<2048x768xf32> to vector<2x1024x768xf32>
    %reduce_max3A_128 = arith.constant dense<0xFF800000> : vector<1024x768xf32>
    %reduce_max3A_129 = vector.multi_reduction <maximumf>, %reshape3A_127, %reduce_max3A_128 [0] : vector<2x1024x768xf32> to vector<1024x768xf32>
    %max3A_130 = arith.maximumf %max3A_122, %reduce_max3A_129 : vector<1024x768xf32>
    %slice3A_131 = vector.extract_strided_slice %concatenate3A_81 {offsets = [12, 0, 0], sizes = [2, 1024, 150], strides = [1, 1, 1]} : vector<16x1024x150xf8E4M3FN> to vector<2x1024x150xf8E4M3FN>
    %reshape3A_132 = vector.shape_cast %slice3A_131 : vector<2x1024x150xf8E4M3FN> to vector<2048x150xf8E4M3FN>
    %dot_general3A_133 = arith.constant dense<0.000000e+00> : vector<2048x768xf32>
    %dot_general3A_134 = tpu.matmul %reshape3A_132, %convert_element_type3A_85, %dot_general3A_133 {dimension_numbers = #tpu.dot_dimension_numbers<[1], [0], [0], [1], [0, 0, 1, 1], [], []>, transpose_lhs_hint = false} : vector<2048x150xf8E4M3FN>, vector<150x768xf8E4M3FN>, vector<2048x768xf32> -> vector<2048x768xf32>
    %reshape3A_135 = vector.shape_cast %dot_general3A_134 : vector<2048x768xf32> to vector<2x1024x768xf32>
    %reduce_max3A_136 = arith.constant dense<0xFF800000> : vector<1024x768xf32>
    %reduce_max3A_137 = vector.multi_reduction <maximumf>, %reshape3A_135, %reduce_max3A_136 [0] : vector<2x1024x768xf32> to vector<1024x768xf32>
    %max3A_138 = arith.maximumf %max3A_130, %reduce_max3A_137 : vector<1024x768xf32>
    %slice3A_139 = vector.extract_strided_slice %concatenate3A_81 {offsets = [14, 0, 0], sizes = [2, 1024, 150], strides = [1, 1, 1]} : vector<16x1024x150xf8E4M3FN> to vector<2x1024x150xf8E4M3FN>
    %reshape3A_140 = vector.shape_cast %slice3A_139 : vector<2x1024x150xf8E4M3FN> to vector<2048x150xf8E4M3FN>
    %dot_general3A_141 = arith.constant dense<0.000000e+00> : vector<2048x768xf32>
    %dot_general3A_142 = tpu.matmul %reshape3A_140, %convert_element_type3A_85, %dot_general3A_141 {dimension_numbers = #tpu.dot_dimension_numbers<[1], [0], [0], [1], [0, 0, 1, 1], [], []>, transpose_lhs_hint = false} : vector<2048x150xf8E4M3FN>, vector<150x768xf8E4M3FN>, vector<2048x768xf32> -> vector<2048x768xf32>
    %reshape3A_143 = vector.shape_cast %dot_general3A_142 : vector<2048x768xf32> to vector<2x1024x768xf32>
    %reduce_max3A_144 = arith.constant dense<0xFF800000> : vector<1024x768xf32>
    %reduce_max3A_145 = vector.multi_reduction <maximumf>, %reshape3A_143, %reduce_max3A_144 [0] : vector<2x1024x768xf32> to vector<1024x768xf32>
    %max3A_146 = arith.maximumf %max3A_138, %reduce_max3A_145 : vector<1024x768xf32>
    %get3A_147 = arith.constant 0 : index
    %get3A_148 = arith.constant 0 : index
    %get3A_149 = vector.load %arg4[%get3A_147, %get3A_148] : memref<1x768xf32, #tpu.memory_space<vmem>>, vector<1x768xf32>
    %add3A = vector.broadcast %get3A_149 : vector<1x768xf32> to vector<1024x768xf32>
    %add3A_150 = arith.addf %max3A_146, %add3A : vector<1024x768xf32>
    %max3A_151 = arith.constant 0.000000e+00 : f32
    %max3A_152 = vector.broadcast %max3A_151 : f32 to vector<1024x768xf32>
    %max3A_153 = arith.maximumf %add3A_150, %max3A_152 : vector<1024x768xf32>
    %convert_element_type3A_154 = arith.truncf %max3A_153 : vector<1024x768xf32> to vector<1024x768xbf16>
    %swap3A = arith.constant 0 : index
    %swap3A_155 = arith.constant 0 : index
    %swap3A_156 = vector.load %arg5[%swap3A, %swap3A_155] : memref<1024x768xbf16, #tpu.memory_space<vmem>>, vector<1024x768xbf16>
    tpu.vector_store %arg5[%swap3A, %swap3A_155], %convert_element_type3A_154 {strides = array<i32>} : memref<1024x768xbf16, #tpu.memory_space<vmem>>, vector<1024x768xbf16>,
    return
  }
  func.func @transform_0(%arg0: i32) -> (i32, i32, i32) {
    %c0_i32 = arith.constant 0 : i32
    %c0_i32_0 = arith.constant 0 : i32
    %c0_i32_1 = arith.constant 0 : i32
    return %arg0, %c0_i32, %c0_i32_0 : i32, i32, i32
  }
  func.func @transform_1(%arg0: i32) -> (i32, i32) {
    %c0_i32 = arith.constant 0 : i32
    %c0_i32_0 = arith.constant 0 : i32
    %c0_i32_1 = arith.constant 0 : i32
    return %c0_i32, %c0_i32_0 : i32, i32
  }
  func.func @transform_2(%arg0: i32) -> (i32, i32) {
    %c0_i32 = arith.constant 0 : i32
    %c0_i32_0 = arith.constant 0 : i32
    %c0_i32_1 = arith.constant 0 : i32
    return %c0_i32, %c0_i32_0 : i32, i32
  }
  func.func @transform_3(%arg0: i32) -> (i32, i32) {
    %c0_i32 = arith.constant 0 : i32
    %c0_i32_0 = arith.constant 0 : i32
    %c0_i32_1 = arith.constant 0 : i32
    return %c0_i32, %c0_i32_0 : i32, i32
  }
  func.func @transform_4(%arg0: i32) -> (i32, i32) {
    %c0_i32 = arith.constant 0 : i32
    %c0_i32_0 = arith.constant 0 : i32
    return %arg0, %c0_i32 : i32, i32
  }
}

module attributes {stable_mosaic.version = 14 : i64} {
  func.func @_main_body(%arg0: i32, %arg1: memref<1024x768xf32, #tpu.memory_space<vmem>>, %arg2: memref<512x768xf32, #tpu.memory_space<vmem>>, %arg3: memref<1x1x1024xi32, #tpu.memory_space<vmem>>, %arg4: memref<2x768xf32, #tpu.memory_space<vmem>>, %arg5: memref<1024x768xbf16, #tpu.memory_space<vmem>>, %arg6: memref<1024x100xf32, #tpu.memory_space<vmem>>, %arg7: memref<100x768xf32, #tpu.memory_space<vmem>>, %arg8: memref<1x768xf32, #tpu.memory_space<vmem>>, %arg9: memref<1536x768xbf16, #tpu.memory_space<vmem>>, %arg10: memref<1x768xf32, #tpu.memory_space<vmem>>, %arg11: memref<1x768xf32, #tpu.memory_space<vmem>>, %arg12: memref<1x768xf32, #tpu.memory_space<vmem>>, %arg13: memref<1024x768xf32, #tpu.memory_space<vmem>>) attributes {dimension_semantics = [#tpu.dimension_semantics<arbitrary>], iteration_bounds = array<i64: 16>, scalar_prefetch = 0 : i64, scratch_operands = 0 : i64, tpu.core_type = #tpu.core_type<tc>, window_params = [{transform_indices = @transform_0, window_bounds = array<i64: 1024, 768>}, {pipeline_mode = #tpu.pipeline_mode<synchronous>, transform_indices = @transform_1, window_bounds = array<i64: 512, 768>}, {transform_indices = @transform_2, window_bounds = array<i64: 1, 1, 1024>}, {pipeline_mode = #tpu.pipeline_mode<synchronous>, transform_indices = @transform_3, window_bounds = array<i64: 2, 768>}, {transform_indices = @transform_4, window_bounds = array<i64: 1024, 768>}, {transform_indices = @transform_5, window_bounds = array<i64: 1024, 100>}, {pipeline_mode = #tpu.pipeline_mode<synchronous>, transform_indices = @transform_6, window_bounds = array<i64: 100, 768>}, {pipeline_mode = #tpu.pipeline_mode<synchronous>, transform_indices = @transform_7, window_bounds = array<i64: 1, 768>}, {pipeline_mode = #tpu.pipeline_mode<synchronous>, transform_indices = @transform_8, window_bounds = array<i64: 1536, 768>}, {pipeline_mode = #tpu.pipeline_mode<synchronous>, transform_indices = @transform_9, window_bounds = array<i64: 1, 768>}, {pipeline_mode = #tpu.pipeline_mode<synchronous>, transform_indices = @transform_10, window_bounds = array<i64: 1, 768>}, {pipeline_mode = #tpu.pipeline_mode<synchronous>, transform_indices = @transform_11, window_bounds = array<i64: 1, 768>}, {transform_indices = @transform_12, window_bounds = array<i64: 1024, 768>}]} {
    %get3A = arith.constant 0 : index
    %get3A_0 = arith.constant 0 : index
    %get3A_1 = arith.constant 0 : index
    %get3A_2 = vector.load %arg3[%get3A, %get3A_0, %get3A_1] : memref<1x1x1024xi32, #tpu.memory_space<vmem>>, vector<1x1x1024xi32>
    %reshape3A = vector.shape_cast %get3A_2 : vector<1x1x1024xi32> to vector<1024x1xi32>
    %convert_element_type3A = arith.sitofp %reshape3A : vector<1024x1xi32> to vector<1024x1xf32>
    %get3A_3 = arith.constant 0 : index
    %get3A_4 = arith.constant 0 : index
    %get3A_5 = vector.load %arg4[%get3A_3, %get3A_4] : memref<2x768xf32, #tpu.memory_space<vmem>>, vector<1x768xf32>
    %get3A_6 = arith.constant 1 : index
    %get3A_7 = arith.constant 0 : index
    %get3A_8 = vector.load %arg4[%get3A_6, %get3A_7] : memref<2x768xf32, #tpu.memory_space<vmem>>, vector<1x768xf32>
    %get3A_9 = arith.constant 0 : index
    %get3A_10 = arith.constant 0 : index
    %get3A_11 = vector.load %arg2[%get3A_9, %get3A_10] : memref<512x768xf32, #tpu.memory_space<vmem>>, vector<512x768xf32>
    %concatenate3A = tpu.concatenate %get3A_11, %get3A_11 in 0 : vector<512x768xf32>, vector<512x768xf32> -> vector<1024x768xf32>
    %get3A_12 = arith.constant 0 : index
    %get3A_13 = arith.constant 0 : index
    %get3A_14 = vector.load %arg1[%get3A_12, %get3A_13] : memref<1024x768xf32, #tpu.memory_space<vmem>>, vector<1024x768xf32>
    %add3A = arith.addf %get3A_14, %concatenate3A : vector<1024x768xf32>
    %add3A_15 = vector.broadcast %get3A_5 : vector<1x768xf32> to vector<1024x768xf32>
    %add3A_16 = arith.addf %add3A, %add3A_15 : vector<1024x768xf32>
    %sub3A = arith.subf %get3A_8, %get3A_5 : vector<1x768xf32>
    %mul3A = vector.broadcast %convert_element_type3A : vector<1024x1xf32> to vector<1024x768xf32>
    %mul3A_17 = vector.broadcast %sub3A : vector<1x768xf32> to vector<1024x768xf32>
    %mul3A_18 = arith.mulf %mul3A, %mul3A_17 : vector<1024x768xf32>
    %add3A_19 = arith.addf %add3A_16, %mul3A_18 : vector<1024x768xf32>
    %convert_element_type3A_20 = arith.truncf %add3A_19 : vector<1024x768xf32> to vector<1024x768xbf16>
    %get3A_21 = arith.constant 0 : index
    %get3A_22 = arith.constant 0 : index
    %get3A_23 = vector.load %arg9[%get3A_21, %get3A_22] : memref<1536x768xbf16, #tpu.memory_space<vmem>>, vector<768x768xbf16>
    %dot_general3A = arith.constant dense<0.000000e+00> : vector<1024x768xf32>
    %dot_general3A_24 = tpu.matmul %convert_element_type3A_20, %get3A_23, %dot_general3A {dimension_numbers = #tpu.dot_dimension_numbers<[1], [0], [0], [1], [0, 0, 1, 1], [], []>, transpose_lhs_hint = false} : vector<1024x768xbf16>, vector<768x768xbf16>, vector<1024x768xf32> -> vector<1024x768xf32>
    %get3A_25 = arith.constant 0 : index
    %get3A_26 = arith.constant 0 : index
    %get3A_27 = vector.load %arg5[%get3A_25, %get3A_26] : memref<1024x768xbf16, #tpu.memory_space<vmem>>, vector<1024x768xbf16>
    %get3A_28 = arith.constant 768 : index
    %get3A_29 = arith.constant 0 : index
    %get3A_30 = vector.load %arg9[%get3A_28, %get3A_29] : memref<1536x768xbf16, #tpu.memory_space<vmem>>, vector<768x768xbf16>
    %dot_general3A_31 = arith.constant dense<0.000000e+00> : vector<1024x768xf32>
    %dot_general3A_32 = tpu.matmul %get3A_27, %get3A_30, %dot_general3A_31 {dimension_numbers = #tpu.dot_dimension_numbers<[1], [0], [0], [1], [0, 0, 1, 1], [], []>, transpose_lhs_hint = false} : vector<1024x768xbf16>, vector<768x768xbf16>, vector<1024x768xf32> -> vector<1024x768xf32>
    %add3A_33 = arith.addf %dot_general3A_24, %dot_general3A_32 : vector<1024x768xf32>
    %get3A_34 = arith.constant 0 : index
    %get3A_35 = arith.constant 0 : index
    %get3A_36 = vector.load %arg10[%get3A_34, %get3A_35] : memref<1x768xf32, #tpu.memory_space<vmem>>, vector<1x768xf32>
    %add3A_37 = vector.broadcast %get3A_36 : vector<1x768xf32> to vector<1024x768xf32>
    %add3A_38 = arith.addf %add3A_33, %add3A_37 : vector<1024x768xf32>
    %get3A_39 = arith.constant 0 : index
    %get3A_40 = arith.constant 0 : index
    %get3A_41 = vector.load %arg6[%get3A_39, %get3A_40] : memref<1024x100xf32, #tpu.memory_space<vmem>>, vector<1024x100xf32>
    %get3A_42 = arith.constant 0 : index
    %get3A_43 = arith.constant 0 : index
    %get3A_44 = vector.load %arg7[%get3A_42, %get3A_43] : memref<100x768xf32, #tpu.memory_space<vmem>>, vector<100x768xf32>
    %dot_general3A_45 = arith.constant dense<0.000000e+00> : vector<1024x768xf32>
    %dot_general3A_46 = tpu.matmul %get3A_41, %get3A_44, %dot_general3A_45 {dimension_numbers = #tpu.dot_dimension_numbers<[1], [0], [0], [1], [0, 0, 1, 1], [], []>, transpose_lhs_hint = false} : vector<1024x100xf32>, vector<100x768xf32>, vector<1024x768xf32> -> vector<1024x768xf32>
    %add3A_47 = arith.addf %add3A_38, %dot_general3A_46 : vector<1024x768xf32>
    %get3A_48 = arith.constant 0 : index
    %get3A_49 = arith.constant 0 : index
    %get3A_50 = vector.load %arg8[%get3A_48, %get3A_49] : memref<1x768xf32, #tpu.memory_space<vmem>>, vector<1x768xf32>
    %add3A_51 = vector.broadcast %get3A_50 : vector<1x768xf32> to vector<1024x768xf32>
    %add3A_52 = arith.addf %add3A_47, %add3A_51 : vector<1024x768xf32>
    %reduce_sum3A = arith.constant dense<0.000000e+00> : vector<1024xf32>
    %reduce_sum3A_53 = vector.multi_reduction <add>, %add3A_52, %reduce_sum3A [1] : vector<1024x768xf32> to vector<1024xf32>
    %broadcast_in_dim3A = vector.shape_cast %reduce_sum3A_53 : vector<1024xf32> to vector<1024x1xf32>
    %div3A = arith.constant 7.680000e+02 : f32
    %div3A_54 = vector.broadcast %div3A : f32 to vector<1024x1xf32>
    %div3A_55 = arith.divf %broadcast_in_dim3A, %div3A_54 : vector<1024x1xf32>
    %sub3A_56 = vector.broadcast %div3A_55 : vector<1024x1xf32> to vector<1024x768xf32>
    %sub3A_57 = arith.subf %add3A_52, %sub3A_56 : vector<1024x768xf32>
    %mul3A_58 = arith.mulf %sub3A_57, %sub3A_57 : vector<1024x768xf32>
    %reduce_sum3A_59 = arith.constant dense<0.000000e+00> : vector<1024xf32>
    %reduce_sum3A_60 = vector.multi_reduction <add>, %mul3A_58, %reduce_sum3A_59 [1] : vector<1024x768xf32> to vector<1024xf32>
    %broadcast_in_dim3A_61 = vector.shape_cast %reduce_sum3A_60 : vector<1024xf32> to vector<1024x1xf32>
    %div3A_62 = arith.constant 7.680000e+02 : f32
    %div3A_63 = vector.broadcast %div3A_62 : f32 to vector<1024x1xf32>
    %div3A_64 = arith.divf %broadcast_in_dim3A_61, %div3A_63 : vector<1024x1xf32>
    %add3A_65 = arith.constant 9.99999996E-13 : f32
    %add3A_66 = vector.broadcast %add3A_65 : f32 to vector<1024x1xf32>
    %add3A_67 = arith.addf %div3A_64, %add3A_66 : vector<1024x1xf32>
    %rsqrt3A = math.rsqrt %add3A_67 : vector<1024x1xf32>
    %mul3A_68 = vector.broadcast %rsqrt3A : vector<1024x1xf32> to vector<1024x768xf32>
    %mul3A_69 = arith.mulf %sub3A_57, %mul3A_68 : vector<1024x768xf32>
    %get3A_70 = arith.constant 0 : index
    %get3A_71 = arith.constant 0 : index
    %get3A_72 = vector.load %arg11[%get3A_70, %get3A_71] : memref<1x768xf32, #tpu.memory_space<vmem>>, vector<1x768xf32>
    %mul3A_73 = vector.broadcast %get3A_72 : vector<1x768xf32> to vector<1024x768xf32>
    %mul3A_74 = arith.mulf %mul3A_69, %mul3A_73 : vector<1024x768xf32>
    %get3A_75 = arith.constant 0 : index
    %get3A_76 = arith.constant 0 : index
    %get3A_77 = vector.load %arg12[%get3A_75, %get3A_76] : memref<1x768xf32, #tpu.memory_space<vmem>>, vector<1x768xf32>
    %add3A_78 = vector.broadcast %get3A_77 : vector<1x768xf32> to vector<1024x768xf32>
    %add3A_79 = arith.addf %mul3A_74, %add3A_78 : vector<1024x768xf32>
    %swap3A = arith.constant 0 : index
    %swap3A_80 = arith.constant 0 : index
    %swap3A_81 = vector.load %arg13[%swap3A, %swap3A_80] : memref<1024x768xf32, #tpu.memory_space<vmem>>, vector<1024x768xf32>
    tpu.vector_store %arg13[%swap3A, %swap3A_80], %add3A_79 {strides = array<i32>} : memref<1024x768xf32, #tpu.memory_space<vmem>>, vector<1024x768xf32>,
    return
  }
  func.func @transform_0(%arg0: i32) -> (i32, i32) {
    %c0_i32 = arith.constant 0 : i32
    %c0_i32_0 = arith.constant 0 : i32
    return %arg0, %c0_i32 : i32, i32
  }
  func.func @transform_1(%arg0: i32) -> (i32, i32) {
    %c0_i32 = arith.constant 0 : i32
    %c0_i32_0 = arith.constant 0 : i32
    %c0_i32_1 = arith.constant 0 : i32
    return %c0_i32, %c0_i32_0 : i32, i32
  }
  func.func @transform_2(%arg0: i32) -> (i32, i32, i32) {
    %c0_i32 = arith.constant 0 : i32
    %c0_i32_0 = arith.constant 0 : i32
    %c0_i32_1 = arith.constant 0 : i32
    return %arg0, %c0_i32, %c0_i32_0 : i32, i32, i32
  }
  func.func @transform_3(%arg0: i32) -> (i32, i32) {
    %c0_i32 = arith.constant 0 : i32
    %c0_i32_0 = arith.constant 0 : i32
    %c0_i32_1 = arith.constant 0 : i32
    return %c0_i32, %c0_i32_0 : i32, i32
  }
  func.func @transform_4(%arg0: i32) -> (i32, i32) {
    %c0_i32 = arith.constant 0 : i32
    %c0_i32_0 = arith.constant 0 : i32
    return %arg0, %c0_i32 : i32, i32
  }
  func.func @transform_5(%arg0: i32) -> (i32, i32) {
    %c0_i32 = arith.constant 0 : i32
    %c0_i32_0 = arith.constant 0 : i32
    return %arg0, %c0_i32 : i32, i32
  }
  func.func @transform_6(%arg0: i32) -> (i32, i32) {
    %c0_i32 = arith.constant 0 : i32
    %c0_i32_0 = arith.constant 0 : i32
    %c0_i32_1 = arith.constant 0 : i32
    return %c0_i32, %c0_i32_0 : i32, i32
  }
  func.func @transform_7(%arg0: i32) -> (i32, i32) {
    %c0_i32 = arith.constant 0 : i32
    %c0_i32_0 = arith.constant 0 : i32
    %c0_i32_1 = arith.constant 0 : i32
    return %c0_i32, %c0_i32_0 : i32, i32
  }
  func.func @transform_8(%arg0: i32) -> (i32, i32) {
    %c0_i32 = arith.constant 0 : i32
    %c0_i32_0 = arith.constant 0 : i32
    %c0_i32_1 = arith.constant 0 : i32
    return %c0_i32, %c0_i32_0 : i32, i32
  }
  func.func @transform_9(%arg0: i32) -> (i32, i32) {
    %c0_i32 = arith.constant 0 : i32
    %c0_i32_0 = arith.constant 0 : i32
    %c0_i32_1 = arith.constant 0 : i32
    return %c0_i32, %c0_i32_0 : i32, i32
  }
  func.func @transform_10(%arg0: i32) -> (i32, i32) {
    %c0_i32 = arith.constant 0 : i32
    %c0_i32_0 = arith.constant 0 : i32
    %c0_i32_1 = arith.constant 0 : i32
    return %c0_i32, %c0_i32_0 : i32, i32
  }
  func.func @transform_11(%arg0: i32) -> (i32, i32) {
    %c0_i32 = arith.constant 0 : i32
    %c0_i32_0 = arith.constant 0 : i32
    %c0_i32_1 = arith.constant 0 : i32
    return %c0_i32, %c0_i32_0 : i32, i32
  }
  func.func @transform_12(%arg0: i32) -> (i32, i32) {
    %c0_i32 = arith.constant 0 : i32
    %c0_i32_0 = arith.constant 0 : i32
    return %arg0, %c0_i32 : i32, i32
  }
}

</mosaic_0001>

<sc_bundles>
// kernel: kernel.5.cloned.1.call-start
scs
__scs_entry_jumppad:
0x0: {  	(pc) =	sbr.rel $0x88, $3  }
0x1: {  	(tag) =	ssettag $0x0;
	lr =	simm.s32 $0x1  }
0x2: {  	[smem:$0x3F91] =	sst lr;
	_ =	strace $0xD0000000  }
0x3: {  	_ = 	snop  }
0x4: {  	_ = 	snop  }
0x5: {  	_ = 	snop  }
0x6: {  	_ = 	snop  }
0x7: {  	_ = 	snop  }
__scs_overlays_trampoline_lowered:
0x8: {  	[smem:$0x3FA0] =	sst s0  }
0x9: {  	[smem:$0x3FA1] =	sst s1  }
0xa: {  	[smem:$0x3FA2] =	sst s2  }
0xb: {  	[smem:$0x3FA3] =	sst s3  }
0xc: {  	[smem:$0x3FA4] =	sst s4  }
0xd: {  	[smem:$0x3FA5] =	sst s5  }
0xe: {  	[smem:$0x3FA6] =	sst s6  }
0xf: {  	[smem:$0x3FA7] =	sst s7  }
0x10: {  	[smem:$0x3FA8] =	sst s8  }
0x11: {  	[smem:$0x3FA9] =	sst s9;
	s0 =	simm.s32 @!p0 $0x0  }
0x12: {  	s1 =	sld [smem:$0x3F8F];
	s0 =	simm.s32 @p0 $0x1  }
0x13: {  	[smem:$0x3FAA] =	sst s0;
	s0 =	simm.s32 @!p1 $0x0  }
0x14: {  	s2 =	sld [smem:$0x3F8E];
	s0 =	simm.s32 @p1 $0x1  }
0x15: {  	[smem:$0x3FAB] =	sst s0;
	s0 =	simm.s32 @!p2 $0x0  }
0x16: {  	s3 =	sld [smem:$0x3FDB];
	s0 =	simm.s32 @p2 $0x1  }
0x17: {  	s4 =	simm.s32 $0x1BF5;
	[smem:$0x3FAD] =	sst s0  }
0x18: {  	s0 =	sld [smem:$0x3F90];
	_ =	swait.ge [sflag:s4], $0x0  }
0x19: {  	s7 =	sld [smem:$0x3F91]  }
0x1a: {  	s8 =	sadd.s32 $0xFFFFE003, lr  }
0x1b: {  	s9 =	sadd.s32 $0xFFFFFEF7, lr;
	s5 =	simm.s32 $0xFFFFFFFF;
	p2 =	slt.u32 s8, $0xFFFFF086  }
0x1c: {  	p1 =	slt.u32 s9, $0xF7A;
	s5 =	simm.s32 @!p2 $0x0  }
0x1d: {  	s5 =	simm.s32 @p1 $0x1;
	p0 =	seq.s32 s7, s2  }
0x1e: {  	s7 =	smul.u32 @!p0 $0xF7A, s2;
	p2 =	seq.s32 @!p0 s5, $0x0  }
0x1f: {  	s9 =	smul.u32 $0xF7A, s1;
	s8 =	simm.s32 @!p0 $0x1BF5;
	p2 =	por !p2, p0  }
0x20: {  	[sflag:s8] =	ssyncset.s32 @!p0 $0xFFFFF086;
	s6 =	sadd.s32 @!p0 s3, s7;
	s7 =	simm.s32 @!p0 $0x108  }
0x21: {  	s3 =	sadd.s32 s3, s9;
	s6 =	sadd.s32 @!p0 $0x88, s6;
	s7 =	simm.s32 @p2 $0x1082  }
0x22: {  	[simem:s7], [sflag:s8] =	dma.local @!p0 [hbm:s6], $0xF7A  }
0x23: {  	s9 =	sor.u32 $0xD0000000, s2;
	s6 =	simm.s32 $0x108;
	_ =	swait.ge @!p0 [sflag:s8], $0x0  }
0x24: {  	s3 =	sadd.s32 $0x88, s3;
	s6 =	simm.s32 @!p1 $0x1082;
	[sflag:s4] =	ssyncset.s32 $0xFFFFF086  }
0x25: {  	[simem:s6], [sflag:s4] =	dma.local [hbm:s3], $0xF7A  }
0x26: {  	[smem:$0x3F91] =	sst s1;
	(tag) =	ssettag s2;
	_ =	strace s9  }
0x27: {  	s1 =	sld [smem:$0x3FA1]  }
0x28: {  	s2 =	sld [smem:$0x3FA2]  }
0x29: {  	s4 =	sld [smem:$0x3FA4]  }
0x2a: {  	p0 =	seq.s32 s5, $0x0;
	s5 =	sld [smem:$0x3FA5]  }
0x2b: {  	s6 =	sld [smem:$0x3FA6]  }
0x2c: {  	s7 =	sld [smem:$0x3FA7]  }
0x2d: {  	s3 =	simm.s32 $0x108;
	s8 =	sld [smem:$0x3FA8]  }
0x2e: {  	s3 =	simm.s32 @!p0 $0x1082;
	s9 =	sld [smem:$0x3FA9]  }
0x2f: {  	lr =	sadd.s32 s0, s3;
	s0 =	sld [smem:$0x3FA0]  }
0x30: {  	s3 =	sld [smem:$0x3FA3]  }
0x31: {  	[smem:$0x3FAC] =	sst s10  }
0x32: {  	s10 =	sld [smem:$0x3FAA];
	_ =	sdelay $0x3  }
0x33: {  	p0 =	seq.s32 s10, $0x1;
	s10 =	sld [smem:$0x3FAC];
	_ =	sdelay $0x3  }
0x34: {  	[smem:$0x3FAC] =	sst s10  }
0x35: {  	s10 =	sld [smem:$0x3FAB];
	_ =	sdelay $0x3  }
0x36: {  	p1 =	seq.s32 s10, $0x1;
	s10 =	sld [smem:$0x3FAC];
	_ =	sdelay $0x3  }
0x37: {  	[smem:$0x3FAC] =	sst s10  }
0x38: {  	s10 =	sld [smem:$0x3FAD]  }
0x39: {  	_ = 	snop;
	(pc) =	sbr.ind lr, $3  }
0x3a: {  	_ = 	snop  }
0x3b: {  	_ = 	snop  }
0x3c: {  	p2 =	seq.s32 s10, $0x1;
	s10 =	sld [smem:$0x3FAC]  }
0x3d: {  	_ =	shalt  }
0x3e: {  	_ =	shalt  }
0x3f: {  	_ =	shalt  }
0x40: {  	_ =	shalt  }
0x41: {  	_ =	shalt  }
0x42: {  	_ =	shalt  }
0x43: {  	_ =	shalt  }
0x44: {  	_ =	shalt  }
0x45: {  	_ =	shalt  }
0x46: {  	_ =	shalt  }
0x47: {  	_ =	shalt  }
0x48: {  	_ =	shalt  }
0x49: {  	_ =	shalt  }
0x4a: {  	_ =	shalt  }
0x4b: {  	_ =	shalt  }
0x4c: {  	_ =	shalt  }
0x4d: {  	_ =	shalt  }
0x4e: {  	_ =	shalt  }
0x4f: {  	_ =	shalt  }
0x50: {  	_ =	shalt  }
0x51: {  	_ =	shalt  }
0x52: {  	_ =	shalt  }
0x53: {  	_ =	shalt  }
0x54: {  	_ =	shalt  }
0x55: {  	_ =	shalt  }
0x56: {  	_ =	shalt  }
0x57: {  	_ =	shalt  }
0x58: {  	_ =	shalt  }
0x59: {  	_ =	shalt  }
0x5a: {  	_ =	shalt  }
0x5b: {  	_ =	shalt  }
0x5c: {  	_ =	shalt  }
0x5d: {  	_ =	shalt  }
0x5e: {  	_ =	shalt  }
0x5f: {  	_ =	shalt  }
0x60: {  	_ =	shalt  }
0x61: {  	_ =	shalt  }
0x62: {  	_ =	shalt  }
0x63: {  	_ =	shalt  }
0x64: {  	_ =	shalt  }
0x65: {  	_ =	shalt  }
0x66: {  	_ =	shalt  }
0x67: {  	_ =	shalt  }
0x68: {  	_ =	shalt  }
0x69: {  	_ =	shalt  }
0x6a: {  	_ =	shalt  }
0x6b: {  	_ =	shalt  }
0x6c: {  	_ =	shalt  }
0x6d: {  	_ =	shalt  }
0x6e: {  	_ =	shalt  }
0x6f: {  	_ =	shalt  }
0x70: {  	_ =	shalt  }
0x71: {  	_ =	shalt  }
0x72: {  	_ =	shalt  }
0x73: {  	_ =	shalt  }
0x74: {  	_ =	shalt  }
0x75: {  	_ =	shalt  }
0x76: {  	_ =	shalt  }
0x77: {  	_ =	shalt  }
0x78: {  	_ =	shalt  }
0x79: {  	_ =	shalt  }
0x7a: {  	_ =	shalt  }
0x7b: {  	_ =	shalt  }
0x7c: {  	_ =	shalt  }
0x7d: {  	_ =	shalt  }
0x7e: {  	_ =	shalt  }
0x7f: {  	_ =	shalt  }
0x80: {  	_ =	shalt  }
0x81: {  	_ =	shalt  }
0x82: {  	_ =	shalt  }
0x83: {  	_ =	shalt  }
0x84: {  	_ =	shalt  }
0x85: {  	_ =	shalt  }
0x86: {  	_ =	shalt  }
0x87: {  	_ =	shalt  }
.Lfunc_end0:
.L_simem_size_0:
called_computation_lowered:
.L_overlay_start_0:
0x88: {  	s2 =	sld [smem:$0x3FD9]  }
0x89: {  	s3 =	sld [smem:$0x3FFE];
	_ =	sdelay $0x1  }
0x8a: {  	s1 =	srdreg.scid  }
0x8b: {  	s0 =	sand.u32 $0x1, s1  }
0x8c: {  	s17 =	sshll.u32 s0, $0xA;
	s2 =	sadd.s32 s3, s2  }
0x8d: {  	s2 =	sadd.s32 s2, s17  }
0x8e: {  	[smem:$0x3FB8] =	sst s2  }
0x8f: {  	_ = 	snop  }
0x90: {  	s2 =	sld [smem:$0x3FC5]  }
0x91: {  	s18 =	sld [smem:$0x3FD0];
	(tm) =	ssettm $0x1  }
0x92: {  	s4 =	sld [smem:$0x3FFB];
	_ =	sdelay $0x3  }
0x93: {  	_ =	strace s4  }
0x94: {  	s4 =	sld [smem:$0x3FFC];
	_ =	sdelay $0x3  }
0x95: {  	_ =	strace s4  }
0x96: {  	s4 =	sld [smem:$0x3FFD];
	_ =	sdelay $0x3  }
0x97: {  	_ =	strace s4  }
0x98: {  	_ =	strace $0x8FFFFFFF  }
0x99: {  	s19 =	sld [smem:$0x3FDB];
	_ =	sdelay $0x1  }
0x9a: {  	s5 =	simm.s32 $_scs_section_size  }
0x9b: {  	s6 =	simm.s32 $_size__tile_overlayer_lowered;
	s7 =	simm.s32 $_tile_overlayer_lowered  }
0x9c: {  	s22 =	simm.s32 $0x1BFF;
	s21 =	sshll.u32 s7, $0x1;
	s4 =	sadd.s32 s5, s19  }
0x9d: {  	s8 =	simm.s32 $0x0;
	s20 =	sshll.u32 s6, $0x1;
	s6 =	sadd.s32 s21, s4  }
0x9e: {  	[timem:s8], [sflag:s22] =	dma.local [hbm:s6], s20  }
0x9f: {  	_ =	swait.ge [sflag:s22], s20  }
0xa0: {  	s5 =	ssub.s32 $0x0, s20;
	[sflag:s22] =	ssyncset.done $0x0  }
0xa1: {  	[sflag:s22] =	ssyncadd.s32 s5;
	_ =	sdelay $0x1  }
0xa2: {  	s23 =	simm.s32 $0x1B8B  }
0xa3: {  	_ =	swait.ge [sflag:s23], $0x1  }
0xa4: {  	[sflag:s23] =	ssyncset.done $0x0  }
0xa5: {  	s25 =	simm.s32 $0x1B8E;
	s24 =	sld [smem:$0x3FFE];
	[sflag:s23] =	ssyncadd.s32 $0xFFFFFFFF  }
0xa6: {  	s26 =	simm.s32 $execute0_lowered;
	[smem:$0x3FD2] =	sst s25  }
0xa7: {  	s6 =	sshll.u32 s26, $0x1;
	_ =	strace $0x80000046;
	[dreg:$0x1] =	wrdreg $0xFFFFFFFF  }
0xa8: {  	s28 =	simm.s32 $_size_execute0_lowered;
	s4 =	sadd.s32 s4, s6;
	[dreg:$0x0] =	wrdreg $0x0  }
0xa9: {  	s6 =	sshll.u32 s28, $0x1;
	[dreg:$0x2] =	wrdreg s4  }
0xaa: {  	[dreg:$0x3] =	wrdreg s6  }
0xab: {  	[dreg:$0x4] =	wrdreg $0xC0  }
0xac: {  	_ =	task [dreg:s8], $0x5FFFF  }
0xad: {  	[dreg:$0x1] =	wrdreg $0xFFFFFFFF  }
0xae: {  	[dreg:$0x0] =	wrdreg $0x60  }
0xaf: {  	[dreg:$0x2] =	wrdreg s2  }
0xb0: {  	[dreg:$0x3] =	wrdreg s18  }
0xb1: {  	[dreg:$0x4] =	wrdreg s24  }
0xb2: {  	[dreg:$0x5] =	wrdreg $0x9  }
0xb3: {  	_ =	task.clear_ibuf [dreg:s8], $0x6FFFF;
	_ =	strace $0x90000046  }
0xb4: {  	s29 =	simm.s32 $0x9;
	_ =	strace $0x80000048  }
0xb5: {  	_ =	swait.ge [sflag:s29], $0x1  }
0xb6: {  	[sflag:s29] =	ssyncadd.s32 $0xFFFFFFFF  }
0xb7: {  	_ =	strace $0x90000048  }
0xb8: {  	_ =	sfence  }
0xb9: {  	s30 =	sld [smem:$0x0];
	_ =	sdelay $0x2  }
0xba: {  	s31 =	sshll.u32 s1, $0xD;
	s1 =	sshrl.u32 s1, $0x2  }
0xbb: {  	s3 =	sand.u32 $0x4000, s31;
	s1 =	sadd.s32 s1, s30  }
0xbc: {  	s0 =	sor.u32 s3, s0;
	s1 =	sshll.u32 s1, $0x11  }
0xbd: {  	s0 =	sor.u32 s1, s0  }
0xbe: {  	s0 =	sadd.s32 $0x8F2B, s0  }
0xbf: {  	[sflag:s0] =	ssyncadd.remote.s32 $0x1  }
0xc0: {  	_ =	sfence.sel $0xFFFF  }
0xc1: {  	[dreg:$0x0] =	wrdreg $0xFFFFFFFF;
	(pc) =	sbr.abs _section_cstart, $3  }
0xc2: {  	[dreg:$0x1] =	wrdreg $0xFFFFFFFF  }
0xc3: {  	_ =	task.clear_ibuf [dreg:s8], $0x2FFFF;
	_ =	strace $0x9FFFFFFF  }
0xc4: {  	(tm) =	ssettm $0x7FFFFFFF  }
0xc5: {  	_ =	shalt  }
tec
execute0_lowered:
.L_overlay_start_1:
0x0: {  	(tag) =	ssettag $0x1  }
0x1: {  	s1 =	rddreg [dreg:$0x0]  }
0x2: {  	s0 =	rddreg [dreg:$0x1]  }
0x3: {  	s2 =	rddreg [dreg:$0x2]  }
0x4: {  	s3 =	srdreg.scid;
	s5 =	stileid.u32;
	s28 =	simm.s32 $0x80  }
0x5: {  	s4 =	sand.u32 $0x1, s3;
	s3 =	simm.s32 $0x0;
	s5 =	sshll.u32 s5, $0x7  }
0x6: {  	s2 =	sadd.s32 $0x2600, s2;
	s6 =	sshll.u32 s4, $0x6;
	[smem:$0x7FF] =	sst s3  }
0x7: {  	s4 =	ssub.s32 $0x2, s4;
	s5 =	sor.u32 s6, s5;
	_ =	strace $0x80000047  }
0x8: {  	s29 =	sshrl.u32 s4, $0x1;
	s6 =	smul.u32 $0x300, s5;
	s7 =	sadd.s32 s0, s5  }
0x9: {  	s8 =	sor.u32 $0x10, s5;
	s21 =	sor.u32 $0x20, s5;
	s5 =	sor.u32 $0x30, s5  }
0xa: {  	s30 =	ssub.s32 s4, s29;
	[dreg:$0x4] =	wrdreg s7;
	s20 =	sadd.s32 s0, s8  }
0xb: {  	s4 =	sadd.s32 $0x100, s1;
	s24 =	sadd.s32 s0, s21;
	[dreg:$0x6] =	wrdreg s20  }
0xc: {  	s19 =	smul.u32 $0x300, s8;
	s0 =	sadd.s32 s0, s5;
	[dreg:$0x8] =	wrdreg s24  }
0xd: {  	s23 =	smul.u32 $0x300, s21;
	s6 =	sadd.s32 s2, s6;
	[dreg:$0xa] =	wrdreg s0  }
0xe: {  	s26 =	smul.u32 $0x300, s5;
	[dreg:$0x5] =	wrdreg s6;
	s22 =	sadd.s32 s2, s19  }
0xf: {  	v2 =	vlaneseq.u32;
	s5 =	sadd.s32 $0x200, s1;
	s25 =	sadd.s32 s2, s23;
	[dreg:$0x7] =	wrdreg s22  }
0x10: {  	vm0 =	vmmov $0xffff;
	v1 =	vshrl.u32 v2, $0x3;
	s7 =	simm.s32 $0x2;
	s31 =	sadd.s32 s2, s26;
	[dreg:$0x9] =	wrdreg s25  }
0x11: {  	v0 =	vand.u32 $0x7, v2;
	v2 =	vor.u32 $0x8, v2;
	v1 =	vmul.u32 $0x8, v1;
	s6 =	smax.u32 s30, $0x1;
	s2 =	simm.s32 $0x1;
	[dreg:$0xb] =	wrdreg s31  }
.LBB2_1:
0x12: {  	s9 =	rddreg [dreg:$0x4]  }
0x13: {  	[tilespmem:s3], [sflag:$0x2] =	stream.linear.gather [hbm4b:s9+s3], $0x80, $0x38;
	[tilespmem:$0x18080] =	vst v63  }
0x14: {  	_ =	swait.ge [sflag:s7], $0x80  }
0x15: {  	[sflag:s7] =	ssyncset.done $0x0  }
0x16: {  	[sflag:s7] =	ssyncadd.s32 $0xFFFFFF80  }
0x17: {  	v3 =	vld [tilespmem:$0x0];
	_ =	sdelay $0x4  }
0x18: {  	v4 =	vshrl.u32 v3, $0x3  }
0x19: {  	v4 =	vmul.u32 $0x30, v4  }
0x1a: {  	v3 =	vand.u32 $0x7, v3  }
0x1b: {  	v3 =	vor.u32 v3, v4  }
0x1c: {  	v4 =	vperm.xlane v3, v0;
	_ =	sdelay $0x1  }
0x1d: {  	v4 =	vadd.s32 v1, v4;
	_ =	sdelay $0x3  }
0x1e: {  	v3 =	vperm.xlane v3, v2  }
0x1f: {  	[tilespmem:s28], [sflag:$0x1] =	stream.indirect_vreg.gather [hbm4b:s1+s3], $0x80, v4, vm0, $0xb8;
	[tilespmem:$0x18080] =	vst v63  }
0x20: {  	s0 =	simm.s32 $0x880;
	v3 =	vadd.s32 v1, v3  }
0x21: {  	[tilespmem:s0], [sflag:$0x1] =	stream.indirect_vreg.gather [hbm4b:s4+s3], $0x80, v4, vm0, $0xb8;
	[tilespmem:$0x18080] =	vst v63  }
0x22: {  	s15 =	simm.s32 $0x1080  }
0x23: {  	[tilespmem:s15], [sflag:$0x1] =	stream.indirect_vreg.gather [hbm4b:s5+s3], $0x80, v4, vm0, $0xb8;
	[tilespmem:$0x18080] =	vst v63  }
0x24: {  	s16 =	simm.s32 $0x1880  }
0x25: {  	[tilespmem:s16], [sflag:$0x1] =	stream.indirect_vreg.gather [hbm4b:s1+s3], $0x80, v3, vm0, $0xb8;
	[tilespmem:$0x18080] =	vst v63  }
0x26: {  	s17 =	simm.s32 $0x2080  }
0x27: {  	[tilespmem:s17], [sflag:$0x1] =	stream.indirect_vreg.gather [hbm4b:s4+s3], $0x80, v3, vm0, $0xb8;
	[tilespmem:$0x18080] =	vst v63  }
0x28: {  	s18 =	simm.s32 $0x2880  }
0x29: {  	[tilespmem:s18], [sflag:$0x1] =	stream.indirect_vreg.gather [hbm4b:s5+s3], $0x80, v3, vm0, $0xb8;
	[tilespmem:$0x18080] =	vst v63  }
0x2a: {  	v3 =	vld [tilespmem:$0x10];
	_ =	sdelay $0x4  }
0x2b: {  	v33 =	vshrl.u32 v3, $0x3  }
0x2c: {  	v4 =	vmul.u32 $0x30, v33  }
0x2d: {  	v3 =	vand.u32 $0x7, v3  }
0x2e: {  	v3 =	vor.u32 v3, v4  }
0x2f: {  	v4 =	vperm.xlane v3, v0;
	_ =	sdelay $0x1  }
0x30: {  	v4 =	vadd.s32 v1, v4;
	_ =	sdelay $0x3  }
0x31: {  	s19 =	simm.s32 $0x3080;
	v3 =	vperm.xlane v3, v2  }
0x32: {  	[tilespmem:s19], [sflag:$0x1] =	stream.indirect_vreg.gather [hbm4b:s1+s3], $0x80, v4, vm0, $0xb8;
	[tilespmem:$0x18080] =	vst v63  }
0x33: {  	s20 =	simm.s32 $0x3880;
	v3 =	vadd.s32 v1, v3  }
0x34: {  	[tilespmem:s20], [sflag:$0x1] =	stream.indirect_vreg.gather [hbm4b:s4+s3], $0x80, v4, vm0, $0xb8;
	[tilespmem:$0x18080] =	vst v63  }
0x35: {  	s21 =	simm.s32 $0x4080  }
0x36: {  	[tilespmem:s21], [sflag:$0x1] =	stream.indirect_vreg.gather [hbm4b:s5+s3], $0x80, v4, vm0, $0xb8;
	[tilespmem:$0x18080] =	vst v63  }
0x37: {  	s22 =	simm.s32 $0x4880  }
0x38: {  	[tilespmem:s22], [sflag:$0x1] =	stream.indirect_vreg.gather [hbm4b:s1+s3], $0x80, v3, vm0, $0xb8;
	[tilespmem:$0x18080] =	vst v63  }
0x39: {  	s23 =	simm.s32 $0x5080  }
0x3a: {  	[tilespmem:s23], [sflag:$0x1] =	stream.indirect_vreg.gather [hbm4b:s4+s3], $0x80, v3, vm0, $0xb8;
	[tilespmem:$0x18080] =	vst v63  }
0x3b: {  	s24 =	simm.s32 $0x5880  }
0x3c: {  	[tilespmem:s24], [sflag:$0x1] =	stream.indirect_vreg.gather [hbm4b:s5+s3], $0x80, v3, vm0, $0xb8;
	[tilespmem:$0x18080] =	vst v63  }
0x3d: {  	v3 =	vld [tilespmem:$0x20];
	_ =	sdelay $0x4  }
0x3e: {  	v34 =	vshrl.u32 v3, $0x3  }
0x3f: {  	v4 =	vmul.u32 $0x30, v34  }
0x40: {  	v3 =	vand.u32 $0x7, v3  }
0x41: {  	v3 =	vor.u32 v3, v4  }
0x42: {  	v4 =	vperm.xlane v3, v0;
	_ =	sdelay $0x1  }
0x43: {  	v4 =	vadd.s32 v1, v4;
	_ =	sdelay $0x3  }
0x44: {  	s25 =	simm.s32 $0x6080;
	v3 =	vperm.xlane v3, v2  }
0x45: {  	[tilespmem:s25], [sflag:$0x1] =	stream.indirect_vreg.gather [hbm4b:s1+s3], $0x80, v4, vm0, $0xb8;
	[tilespmem:$0x18080] =	vst v63  }
0x46: {  	s26 =	simm.s32 $0x6880;
	v3 =	vadd.s32 v1, v3  }
0x47: {  	[tilespmem:s26], [sflag:$0x1] =	stream.indirect_vreg.gather [hbm4b:s4+s3], $0x80, v4, vm0, $0xb8;
	[tilespmem:$0x18080] =	vst v63  }
0x48: {  	s29 =	simm.s32 $0x7080  }
0x49: {  	[tilespmem:s29], [sflag:$0x1] =	stream.indirect_vreg.gather [hbm4b:s5+s3], $0x80, v4, vm0, $0xb8;
	[tilespmem:$0x18080] =	vst v63  }
0x4a: {  	s30 =	simm.s32 $0x7880  }
0x4b: {  	[tilespmem:s30], [sflag:$0x1] =	stream.indirect_vreg.gather [hbm4b:s1+s3], $0x80, v3, vm0, $0xb8;
	[tilespmem:$0x18080] =	vst v63  }
0x4c: {  	s31 =	simm.s32 $0x8080  }
0x4d: {  	[tilespmem:s31], [sflag:$0x1] =	stream.indirect_vreg.gather [hbm4b:s4+s3], $0x80, v3, vm0, $0xb8;
	[tilespmem:$0x18080] =	vst v63  }
0x4e: {  	s8 =	simm.s32 $0x8880  }
0x4f: {  	[tilespmem:s8], [sflag:$0x1] =	stream.indirect_vreg.gather [hbm4b:s5+s3], $0x80, v3, vm0, $0xb8;
	[tilespmem:$0x18080] =	vst v63  }
0x50: {  	v3 =	vld [tilespmem:$0x30];
	_ =	sdelay $0x4  }
0x51: {  	v35 =	vshrl.u32 v3, $0x3  }
0x52: {  	v4 =	vmul.u32 $0x30, v35  }
0x53: {  	v3 =	vand.u32 $0x7, v3  }
0x54: {  	v3 =	vor.u32 v3, v4  }
0x55: {  	v4 =	vperm.xlane v3, v0;
	_ =	sdelay $0x1  }
0x56: {  	v4 =	vadd.s32 v1, v4;
	_ =	sdelay $0x3  }
0x57: {  	s9 =	simm.s32 $0x9080;
	v3 =	vperm.xlane v3, v2  }
0x58: {  	[tilespmem:s9], [sflag:$0x1] =	stream.indirect_vreg.gather [hbm4b:s1+s3], $0x80, v4, vm0, $0xb8;
	[tilespmem:$0x18080] =	vst v63  }
0x59: {  	s10 =	simm.s32 $0x9880;
	v3 =	vadd.s32 v1, v3  }
0x5a: {  	[tilespmem:s10], [sflag:$0x1] =	stream.indirect_vreg.gather [hbm4b:s4+s3], $0x80, v4, vm0, $0xb8;
	[tilespmem:$0x18080] =	vst v63  }
0x5b: {  	s11 =	simm.s32 $0xA080  }
0x5c: {  	[tilespmem:s11], [sflag:$0x1] =	stream.indirect_vreg.gather [hbm4b:s5+s3], $0x80, v4, vm0, $0xb8;
	[tilespmem:$0x18080] =	vst v63  }
0x5d: {  	s14 =	simm.s32 $0xA880  }
0x5e: {  	[tilespmem:s14], [sflag:$0x1] =	stream.indirect_vreg.gather [hbm4b:s1+s3], $0x80, v3, vm0, $0xb8;
	[tilespmem:$0x18080] =	vst v63  }
0x5f: {  	s15 =	simm.s32 $0xB080  }
0x60: {  	[tilespmem:s15], [sflag:$0x1] =	stream.indirect_vreg.gather [hbm4b:s4+s3], $0x80, v3, vm0, $0xb8;
	[tilespmem:$0x18080] =	vst v63  }
0x61: {  	s18 =	simm.s32 $0xB880  }
0x62: {  	[tilespmem:s18], [sflag:$0x1] =	stream.indirect_vreg.gather [hbm4b:s5+s3], $0x80, v3, vm0, $0xb8;
	[tilespmem:$0x18080] =	vst v63  }
0x63: {  	v3 =	vld [tilespmem:$0x40];
	_ =	sdelay $0x4  }
0x64: {  	v36 =	vshrl.u32 v3, $0x3  }
0x65: {  	v4 =	vmul.u32 $0x30, v36  }
0x66: {  	v3 =	vand.u32 $0x7, v3  }
0x67: {  	v3 =	vor.u32 v3, v4  }
0x68: {  	v4 =	vperm.xlane v3, v0;
	_ =	sdelay $0x1  }
0x69: {  	v4 =	vadd.s32 v1, v4;
	_ =	sdelay $0x3  }
0x6a: {  	s19 =	simm.s32 $0xC080;
	v3 =	vperm.xlane v3, v2  }
0x6b: {  	[tilespmem:s19], [sflag:$0x1] =	stream.indirect_vreg.gather [hbm4b:s1+s3], $0x80, v4, vm0, $0xb8;
	[tilespmem:$0x18080] =	vst v63  }
0x6c: {  	s22 =	simm.s32 $0xC880;
	v3 =	vadd.s32 v1, v3  }
0x6d: {  	[tilespmem:s22], [sflag:$0x1] =	stream.indirect_vreg.gather [hbm4b:s4+s3], $0x80, v4, vm0, $0xb8;
	[tilespmem:$0x18080] =	vst v63  }
0x6e: {  	s25 =	simm.s32 $0xD080  }
0x6f: {  	[tilespmem:s25], [sflag:$0x1] =	stream.indirect_vreg.gather [hbm4b:s5+s3], $0x80, v4, vm0, $0xb8;
	[tilespmem:$0x18080] =	vst v63  }
0x70: {  	s26 =	simm.s32 $0xD880  }
0x71: {  	[tilespmem:s26], [sflag:$0x1] =	stream.indirect_vreg.gather [hbm4b:s1+s3], $0x80, v3, vm0, $0xb8;
	[tilespmem:$0x18080] =	vst v63  }
0x72: {  	s29 =	simm.s32 $0xE080  }
0x73: {  	[tilespmem:s29], [sflag:$0x1] =	stream.indirect_vreg.gather [hbm4b:s4+s3], $0x80, v3, vm0, $0xb8;
	[tilespmem:$0x18080] =	vst v63  }
0x74: {  	s30 =	simm.s32 $0xE880  }
0x75: {  	[tilespmem:s30], [sflag:$0x1] =	stream.indirect_vreg.gather [hbm4b:s5+s3], $0x80, v3, vm0, $0xb8;
	[tilespmem:$0x18080] =	vst v63  }
0x76: {  	v3 =	vld [tilespmem:$0x50];
	_ =	sdelay $0x4  }
0x77: {  	v37 =	vshrl.u32 v3, $0x3  }
0x78: {  	v4 =	vmul.u32 $0x30, v37  }
0x79: {  	v3 =	vand.u32 $0x7, v3  }
0x7a: {  	v3 =	vor.u32 v3, v4  }
0x7b: {  	v4 =	vperm.xlane v3, v0;
	_ =	sdelay $0x1  }
0x7c: {  	v4 =	vadd.s32 v1, v4;
	_ =	sdelay $0x3  }
0x7d: {  	s31 =	simm.s32 $0xF080;
	v3 =	vperm.xlane v3, v2  }
0x7e: {  	[tilespmem:s31], [sflag:$0x1] =	stream.indirect_vreg.gather [hbm4b:s1+s3], $0x80, v4, vm0, $0xb8;
	[tilespmem:$0x18080] =	vst v63  }
0x7f: {  	s0 =	simm.s32 $0xF880;
	v3 =	vadd.s32 v1, v3  }
0x80: {  	[tilespmem:s0], [sflag:$0x1] =	stream.indirect_vreg.gather [hbm4b:s4+s3], $0x80, v4, vm0, $0xb8;
	[tilespmem:$0x18080] =	vst v63  }
0x81: {  	s8 =	simm.s32 $0x10080  }
0x82: {  	[tilespmem:s8], [sflag:$0x1] =	stream.indirect_vreg.gather [hbm4b:s5+s3], $0x80, v4, vm0, $0xb8;
	[tilespmem:$0x18080] =	vst v63  }
0x83: {  	s10 =	simm.s32 $0x10880  }
0x84: {  	[tilespmem:s10], [sflag:$0x1] =	stream.indirect_vreg.gather [hbm4b:s1+s3], $0x80, v3, vm0, $0xb8;
	[tilespmem:$0x18080] =	vst v63  }
0x85: {  	s11 =	simm.s32 $0x11080  }
0x86: {  	[tilespmem:s11], [sflag:$0x1] =	stream.indirect_vreg.gather [hbm4b:s4+s3], $0x80, v3, vm0, $0xb8;
	[tilespmem:$0x18080] =	vst v63  }
0x87: {  	s14 =	simm.s32 $0x11880  }
0x88: {  	[tilespmem:s14], [sflag:$0x1] =	stream.indirect_vreg.gather [hbm4b:s5+s3], $0x80, v3, vm0, $0xb8;
	[tilespmem:$0x18080] =	vst v63  }
0x89: {  	v3 =	vld [tilespmem:$0x60];
	_ =	sdelay $0x4  }
0x8a: {  	v38 =	vshrl.u32 v3, $0x3  }
0x8b: {  	v4 =	vmul.u32 $0x30, v38  }
0x8c: {  	v3 =	vand.u32 $0x7, v3  }
0x8d: {  	v3 =	vor.u32 v3, v4  }
0x8e: {  	v4 =	vperm.xlane v3, v0;
	_ =	sdelay $0x1  }
0x8f: {  	v4 =	vadd.s32 v1, v4;
	_ =	sdelay $0x3  }
0x90: {  	s15 =	simm.s32 $0x12080;
	v3 =	vperm.xlane v3, v2  }
0x91: {  	[tilespmem:s15], [sflag:$0x1] =	stream.indirect_vreg.gather [hbm4b:s1+s3], $0x80, v4, vm0, $0xb8;
	[tilespmem:$0x18080] =	vst v63  }
0x92: {  	s18 =	simm.s32 $0x12880;
	v3 =	vadd.s32 v1, v3  }
0x93: {  	[tilespmem:s18], [sflag:$0x1] =	stream.indirect_vreg.gather [hbm4b:s4+s3], $0x80, v4, vm0, $0xb8;
	[tilespmem:$0x18080] =	vst v63  }
0x94: {  	s19 =	simm.s32 $0x13080  }
0x95: {  	[tilespmem:s19], [sflag:$0x1] =	stream.indirect_vreg.gather [hbm4b:s5+s3], $0x80, v4, vm0, $0xb8;
	[tilespmem:$0x18080] =	vst v63  }
0x96: {  	s22 =	simm.s32 $0x13880  }
0x97: {  	[tilespmem:s22], [sflag:$0x1] =	stream.indirect_vreg.gather [hbm4b:s1+s3], $0x80, v3, vm0, $0xb8;
	[tilespmem:$0x18080] =	vst v63  }
0x98: {  	s31 =	simm.s32 $0x14080  }
0x99: {  	[tilespmem:s31], [sflag:$0x1] =	stream.indirect_vreg.gather [hbm4b:s4+s3], $0x80, v3, vm0, $0xb8;
	[tilespmem:$0x18080] =	vst v63  }
0x9a: {  	s0 =	simm.s32 $0x14880  }
0x9b: {  	[tilespmem:s0], [sflag:$0x1] =	stream.indirect_vreg.gather [hbm4b:s5+s3], $0x80, v3, vm0, $0xb8;
	[tilespmem:$0x18080] =	vst v63  }
0x9c: {  	v3 =	vld [tilespmem:$0x70];
	_ =	sdelay $0x4  }
0x9d: {  	v39 =	vshrl.u32 v3, $0x3  }
0x9e: {  	v4 =	vmul.u32 $0x30, v39  }
0x9f: {  	v3 =	vand.u32 $0x7, v3  }
0xa0: {  	v3 =	vor.u32 v3, v4  }
0xa1: {  	v4 =	vperm.xlane v3, v0;
	_ =	sdelay $0x1  }
0xa2: {  	v4 =	vadd.s32 v1, v4;
	_ =	sdelay $0x3  }
0xa3: {  	s8 =	simm.s32 $0x15080;
	v3 =	vperm.xlane v3, v2  }
0xa4: {  	[tilespmem:s8], [sflag:$0x1] =	stream.indirect_vreg.gather [hbm4b:s1+s3], $0x80, v4, vm0, $0xb8;
	[tilespmem:$0x18080] =	vst v63  }
0xa5: {  	s10 =	simm.s32 $0x15880;
	v3 =	vadd.s32 v1, v3  }
0xa6: {  	[tilespmem:s10], [sflag:$0x1] =	stream.indirect_vreg.gather [hbm4b:s4+s3], $0x80, v4, vm0, $0xb8;
	[tilespmem:$0x18080] =	vst v63  }
0xa7: {  	s11 =	simm.s32 $0x16080  }
0xa8: {  	[tilespmem:s11], [sflag:$0x1] =	stream.indirect_vreg.gather [hbm4b:s5+s3], $0x80, v4, vm0, $0xb8;
	[tilespmem:$0x18080] =	vst v63  }
0xa9: {  	s14 =	simm.s32 $0x16880  }
0xaa: {  	[tilespmem:s14], [sflag:$0x1] =	stream.indirect_vreg.gather [hbm4b:s1+s3], $0x80, v3, vm0, $0xb8;
	[tilespmem:$0x18080] =	vst v63  }
0xab: {  	s15 =	simm.s32 $0x17080  }
0xac: {  	[tilespmem:s15], [sflag:$0x1] =	stream.indirect_vreg.gather [hbm4b:s4+s3], $0x80, v3, vm0, $0xb8;
	[tilespmem:$0x18080] =	vst v63  }
0xad: {  	s18 =	simm.s32 $0x17880  }
0xae: {  	[tilespmem:s18], [sflag:$0x1] =	stream.indirect_vreg.gather [hbm4b:s5+s3], $0x80, v3, vm0, $0xb8;
	[tilespmem:$0x18080] =	vst v63  }
0xaf: {  	_ =	swait.ge [sflag:s2], $0x18000  }
0xb0: {  	[sflag:s2] =	ssyncset.done $0x0  }
0xb1: {  	s19 =	rddreg [dreg:$0x5];
	[sflag:s2] =	ssyncadd.s32 $0xFFFE8000  }
0xb2: {  	[hbm4b:s19+s3] =	stream.linear.scatter [tilespmem:s28], [sflag:$0x2], $0x18000, $0x38;
	[tilespmem:$0x18080] =	vst v63  }
0xb3: {  	_ =	swait.ge [sflag:s7], $0x18000  }
0xb4: {  	[sflag:s7] =	ssyncset.done $0x0  }
0xb5: {  	s22 =	rddreg [dreg:$0x6];
	[sflag:s7] =	ssyncadd.s32 $0xFFFE8000  }
0xb6: {  	[tilespmem:s3], [sflag:$0x2] =	stream.linear.gather [hbm4b:s22+s3], $0x80, $0x38;
	[tilespmem:$0x18080] =	vst v63  }
0xb7: {  	_ =	swait.ge [sflag:s7], $0x80  }
0xb8: {  	[sflag:s7] =	ssyncset.done $0x0  }
0xb9: {  	[sflag:s7] =	ssyncadd.s32 $0xFFFFFF80  }
0xba: {  	v3 =	vld [tilespmem:$0x0];
	_ =	sdelay $0x4  }
0xbb: {  	v40 =	vshrl.u32 v3, $0x3  }
0xbc: {  	v4 =	vmul.u32 $0x30, v40  }
0xbd: {  	v3 =	vand.u32 $0x7, v3  }
0xbe: {  	v3 =	vor.u32 v3, v4  }
0xbf: {  	v4 =	vperm.xlane v3, v0;
	_ =	sdelay $0x1  }
0xc0: {  	v4 =	vadd.s32 v1, v4;
	_ =	sdelay $0x3  }
0xc1: {  	v3 =	vperm.xlane v3, v2  }
0xc2: {  	[tilespmem:s28], [sflag:$0x1] =	stream.indirect_vreg.gather [hbm4b:s1+s3], $0x80, v4, vm0, $0xb8;
	[tilespmem:$0x18080] =	vst v63  }
0xc3: {  	s0 =	simm.s32 $0x880;
	v3 =	vadd.s32 v1, v3  }
0xc4: {  	[tilespmem:s0], [sflag:$0x1] =	stream.indirect_vreg.gather [hbm4b:s4+s3], $0x80, v4, vm0, $0xb8;
	[tilespmem:$0x18080] =	vst v63  }
0xc5: {  	s8 =	simm.s32 $0x1080  }
0xc6: {  	[tilespmem:s8], [sflag:$0x1] =	stream.indirect_vreg.gather [hbm4b:s5+s3], $0x80, v4, vm0, $0xb8;
	[tilespmem:$0x18080] =	vst v63  }
0xc7: {  	s10 =	simm.s32 $0x1880  }
0xc8: {  	[tilespmem:s10], [sflag:$0x1] =	stream.indirect_vreg.gather [hbm4b:s1+s3], $0x80, v3, vm0, $0xb8;
	[tilespmem:$0x18080] =	vst v63  }
0xc9: {  	s11 =	simm.s32 $0x2080  }
0xca: {  	[tilespmem:s11], [sflag:$0x1] =	stream.indirect_vreg.gather [hbm4b:s4+s3], $0x80, v3, vm0, $0xb8;
	[tilespmem:$0x18080] =	vst v63  }
0xcb: {  	s12 =	simm.s32 $0x2880  }
0xcc: {  	[tilespmem:s12], [sflag:$0x1] =	stream.indirect_vreg.gather [hbm4b:s5+s3], $0x80, v3, vm0, $0xb8;
	[tilespmem:$0x18080] =	vst v63  }
0xcd: {  	v3 =	vld [tilespmem:$0x10];
	_ =	sdelay $0x4  }
0xce: {  	v41 =	vshrl.u32 v3, $0x3  }
0xcf: {  	v4 =	vmul.u32 $0x30, v41  }
0xd0: {  	v3 =	vand.u32 $0x7, v3  }
0xd1: {  	v3 =	vor.u32 v3, v4  }
0xd2: {  	v4 =	vperm.xlane v3, v0;
	_ =	sdelay $0x1  }
0xd3: {  	v4 =	vadd.s32 v1, v4;
	_ =	sdelay $0x3  }
0xd4: {  	s13 =	simm.s32 $0x3080;
	v3 =	vperm.xlane v3, v2  }
0xd5: {  	[tilespmem:s13], [sflag:$0x1] =	stream.indirect_vreg.gather [hbm4b:s1+s3], $0x80, v4, vm0, $0xb8;
	[tilespmem:$0x18080] =	vst v63  }
0xd6: {  	s12 =	simm.s32 $0x3880;
	v3 =	vadd.s32 v1, v3  }
0xd7: {  	[tilespmem:s12], [sflag:$0x1] =	stream.indirect_vreg.gather [hbm4b:s4+s3], $0x80, v4, vm0, $0xb8;
	[tilespmem:$0x18080] =	vst v63  }
0xd8: {  	s13 =	simm.s32 $0x4080  }
0xd9: {  	[tilespmem:s13], [sflag:$0x1] =	stream.indirect_vreg.gather [hbm4b:s5+s3], $0x80, v4, vm0, $0xb8;
	[tilespmem:$0x18080] =	vst v63  }
0xda: {  	s14 =	simm.s32 $0x4880  }
0xdb: {  	[tilespmem:s14], [sflag:$0x1] =	stream.indirect_vreg.gather [hbm4b:s1+s3], $0x80, v3, vm0, $0xb8;
	[tilespmem:$0x18080] =	vst v63  }
0xdc: {  	s15 =	simm.s32 $0x5080  }
0xdd: {  	[tilespmem:s15], [sflag:$0x1] =	stream.indirect_vreg.gather [hbm4b:s4+s3], $0x80, v3, vm0, $0xb8;
	[tilespmem:$0x18080] =	vst v63  }
0xde: {  	s16 =	simm.s32 $0x5880  }
0xdf: {  	[tilespmem:s16], [sflag:$0x1] =	stream.indirect_vreg.gather [hbm4b:s5+s3], $0x80, v3, vm0, $0xb8;
	[tilespmem:$0x18080] =	vst v63  }
0xe0: {  	v3 =	vld [tilespmem:$0x20];
	_ =	sdelay $0x4  }
0xe1: {  	v42 =	vshrl.u32 v3, $0x3  }
0xe2: {  	v4 =	vmul.u32 $0x30, v42  }
0xe3: {  	v3 =	vand.u32 $0x7, v3  }
0xe4: {  	v3 =	vor.u32 v3, v4  }
0xe5: {  	v4 =	vperm.xlane v3, v0;
	_ =	sdelay $0x1  }
0xe6: {  	v4 =	vadd.s32 v1, v4;
	_ =	sdelay $0x3  }
0xe7: {  	s17 =	simm.s32 $0x6080;
	v3 =	vperm.xlane v3, v2  }
0xe8: {  	[tilespmem:s17], [sflag:$0x1] =	stream.indirect_vreg.gather [hbm4b:s1+s3], $0x80, v4, vm0, $0xb8;
	[tilespmem:$0x18080] =	vst v63  }
0xe9: {  	s16 =	simm.s32 $0x6880;
	v3 =	vadd.s32 v1, v3  }
0xea: {  	[tilespmem:s16], [sflag:$0x1] =	stream.indirect_vreg.gather [hbm4b:s4+s3], $0x80, v4, vm0, $0xb8;
	[tilespmem:$0x18080] =	vst v63  }
0xeb: {  	s17 =	simm.s32 $0x7080  }
0xec: {  	[tilespmem:s17], [sflag:$0x1] =	stream.indirect_vreg.gather [hbm4b:s5+s3], $0x80, v4, vm0, $0xb8;
	[tilespmem:$0x18080] =	vst v63  }
0xed: {  	s18 =	simm.s32 $0x7880  }
0xee: {  	[tilespmem:s18], [sflag:$0x1] =	stream.indirect_vreg.gather [hbm4b:s1+s3], $0x80, v3, vm0, $0xb8;
	[tilespmem:$0x18080] =	vst v63  }
0xef: {  	s19 =	simm.s32 $0x8080  }
0xf0: {  	[tilespmem:s19], [sflag:$0x1] =	stream.indirect_vreg.gather [hbm4b:s4+s3], $0x80, v3, vm0, $0xb8;
	[tilespmem:$0x18080] =	vst v63  }
0xf1: {  	s20 =	simm.s32 $0x8880  }
0xf2: {  	[tilespmem:s20], [sflag:$0x1] =	stream.indirect_vreg.gather [hbm4b:s5+s3], $0x80, v3, vm0, $0xb8;
	[tilespmem:$0x18080] =	vst v63  }
0xf3: {  	v3 =	vld [tilespmem:$0x30];
	_ =	sdelay $0x4  }
0xf4: {  	v43 =	vshrl.u32 v3, $0x3  }
0xf5: {  	v4 =	vmul.u32 $0x30, v43  }
0xf6: {  	v3 =	vand.u32 $0x7, v3  }
0xf7: {  	v3 =	vor.u32 v3, v4  }
0xf8: {  	v4 =	vperm.xlane v3, v0;
	_ =	sdelay $0x1  }
0xf9: {  	v4 =	vadd.s32 v1, v4;
	_ =	sdelay $0x3  }
0xfa: {  	s21 =	simm.s32 $0x9080;
	v3 =	vperm.xlane v3, v2  }
0xfb: {  	[tilespmem:s21], [sflag:$0x1] =	stream.indirect_vreg.gather [hbm4b:s1+s3], $0x80, v4, vm0, $0xb8;
	[tilespmem:$0x18080] =	vst v63  }
0xfc: {  	s20 =	simm.s32 $0x9880;
	v3 =	vadd.s32 v1, v3  }
0xfd: {  	[tilespmem:s20], [sflag:$0x1] =	stream.indirect_vreg.gather [hbm4b:s4+s3], $0x80, v4, vm0, $0xb8;
	[tilespmem:$0x18080] =	vst v63  }
0xfe: {  	s21 =	simm.s32 $0xA080  }
0xff: {  	[tilespmem:s21], [sflag:$0x1] =	stream.indirect_vreg.gather [hbm4b:s5+s3], $0x80, v4, vm0, $0xb8;
	[tilespmem:$0x18080] =	vst v63  }
0x100: {  	s22 =	simm.s32 $0xA880  }
0x101: {  	[tilespmem:s22], [sflag:$0x1] =	stream.indirect_vreg.gather [hbm4b:s1+s3], $0x80, v3, vm0, $0xb8;
	[tilespmem:$0x18080] =	vst v63  }
0x102: {  	s9 =	simm.s32 $0xB080  }
0x103: {  	[tilespmem:s9], [sflag:$0x1] =	stream.indirect_vreg.gather [hbm4b:s4+s3], $0x80, v3, vm0, $0xb8;
	[tilespmem:$0x18080] =	vst v63  }
0x104: {  	s23 =	simm.s32 $0xB880  }
0x105: {  	[tilespmem:s23], [sflag:$0x1] =	stream.indirect_vreg.gather [hbm4b:s5+s3], $0x80, v3, vm0, $0xb8;
	[tilespmem:$0x18080] =	vst v63  }
0x106: {  	v3 =	vld [tilespmem:$0x40];
	_ =	sdelay $0x4  }
0x107: {  	v44 =	vshrl.u32 v3, $0x3  }
0x108: {  	v4 =	vmul.u32 $0x30, v44  }
0x109: {  	v3 =	vand.u32 $0x7, v3  }
0x10a: {  	v3 =	vor.u32 v3, v4  }
0x10b: {  	v4 =	vperm.xlane v3, v0;
	_ =	sdelay $0x1  }
0x10c: {  	v4 =	vadd.s32 v1, v4;
	_ =	sdelay $0x3  }
0x10d: {  	s24 =	simm.s32 $0xC080;
	v3 =	vperm.xlane v3, v2  }
0x10e: {  	[tilespmem:s24], [sflag:$0x1] =	stream.indirect_vreg.gather [hbm4b:s1+s3], $0x80, v4, vm0, $0xb8;
	[tilespmem:$0x18080] =	vst v63  }
0x10f: {  	s23 =	simm.s32 $0xC880;
	v3 =	vadd.s32 v1, v3  }
0x110: {  	[tilespmem:s23], [sflag:$0x1] =	stream.indirect_vreg.gather [hbm4b:s4+s3], $0x80, v4, vm0, $0xb8;
	[tilespmem:$0x18080] =	vst v63  }
0x111: {  	s24 =	simm.s32 $0xD080  }
0x112: {  	[tilespmem:s24], [sflag:$0x1] =	stream.indirect_vreg.gather [hbm4b:s5+s3], $0x80, v4, vm0, $0xb8;
	[tilespmem:$0x18080] =	vst v63  }
0x113: {  	s9 =	simm.s32 $0xD880  }
0x114: {  	[tilespmem:s9], [sflag:$0x1] =	stream.indirect_vreg.gather [hbm4b:s1+s3], $0x80, v3, vm0, $0xb8;
	[tilespmem:$0x18080] =	vst v63  }
0x115: {  	s9 =	simm.s32 $0xE080  }
0x116: {  	[tilespmem:s9], [sflag:$0x1] =	stream.indirect_vreg.gather [hbm4b:s4+s3], $0x80, v3, vm0, $0xb8;
	[tilespmem:$0x18080] =	vst v63  }
0x117: {  	s25 =	simm.s32 $0xE880  }
0x118: {  	[tilespmem:s25], [sflag:$0x1] =	stream.indirect_vreg.gather [hbm4b:s5+s3], $0x80, v3, vm0, $0xb8;
	[tilespmem:$0x18080] =	vst v63  }
0x119: {  	v3 =	vld [tilespmem:$0x50];
	_ =	sdelay $0x4  }
0x11a: {  	v45 =	vshrl.u32 v3, $0x3  }
0x11b: {  	v4 =	vmul.u32 $0x30, v45  }
0x11c: {  	v3 =	vand.u32 $0x7, v3  }
0x11d: {  	v3 =	vor.u32 v3, v4  }
0x11e: {  	v4 =	vperm.xlane v3, v0;
	_ =	sdelay $0x1  }
0x11f: {  	v4 =	vadd.s32 v1, v4;
	_ =	sdelay $0x3  }
0x120: {  	s26 =	simm.s32 $0xF080;
	v3 =	vperm.xlane v3, v2  }
0x121: {  	[tilespmem:s26], [sflag:$0x1] =	stream.indirect_vreg.gather [hbm4b:s1+s3], $0x80, v4, vm0, $0xb8;
	[tilespmem:$0x18080] =	vst v63  }
0x122: {  	s25 =	simm.s32 $0xF880;
	v3 =	vadd.s32 v1, v3  }
0x123: {  	[tilespmem:s25], [sflag:$0x1] =	stream.indirect_vreg.gather [hbm4b:s4+s3], $0x80, v4, vm0, $0xb8;
	[tilespmem:$0x18080] =	vst v63  }
0x124: {  	s26 =	simm.s32 $0x10080  }
0x125: {  	[tilespmem:s26], [sflag:$0x1] =	stream.indirect_vreg.gather [hbm4b:s5+s3], $0x80, v4, vm0, $0xb8;
	[tilespmem:$0x18080] =	vst v63  }
0x126: {  	s25 =	simm.s32 $0x10880  }
0x127: {  	[tilespmem:s25], [sflag:$0x1] =	stream.indirect_vreg.gather [hbm4b:s1+s3], $0x80, v3, vm0, $0xb8;
	[tilespmem:$0x18080] =	vst v63  }
0x128: {  	s26 =	simm.s32 $0x11080  }
0x129: {  	[tilespmem:s26], [sflag:$0x1] =	stream.indirect_vreg.gather [hbm4b:s4+s3], $0x80, v3, vm0, $0xb8;
	[tilespmem:$0x18080] =	vst v63  }
0x12a: {  	s29 =	simm.s32 $0x11880  }
0x12b: {  	[tilespmem:s29], [sflag:$0x1] =	stream.indirect_vreg.gather [hbm4b:s5+s3], $0x80, v3, vm0, $0xb8;
	[tilespmem:$0x18080] =	vst v63  }
0x12c: {  	v3 =	vld [tilespmem:$0x60];
	_ =	sdelay $0x4  }
0x12d: {  	v46 =	vshrl.u32 v3, $0x3  }
0x12e: {  	v4 =	vmul.u32 $0x30, v46  }
0x12f: {  	v3 =	vand.u32 $0x7, v3  }
0x130: {  	v3 =	vor.u32 v3, v4  }
0x131: {  	v4 =	vperm.xlane v3, v0;
	_ =	sdelay $0x1  }
0x132: {  	v4 =	vadd.s32 v1, v4;
	_ =	sdelay $0x3  }
0x133: {  	s30 =	simm.s32 $0x12080;
	v3 =	vperm.xlane v3, v2  }
0x134: {  	[tilespmem:s30], [sflag:$0x1] =	stream.indirect_vreg.gather [hbm4b:s1+s3], $0x80, v4, vm0, $0xb8;
	[tilespmem:$0x18080] =	vst v63  }
0x135: {  	s25 =	simm.s32 $0x12880;
	v3 =	vadd.s32 v1, v3  }
0x136: {  	[tilespmem:s25], [sflag:$0x1] =	stream.indirect_vreg.gather [hbm4b:s4+s3], $0x80, v4, vm0, $0xb8;
	[tilespmem:$0x18080] =	vst v63  }
0x137: {  	s26 =	simm.s32 $0x13080  }
0x138: {  	[tilespmem:s26], [sflag:$0x1] =	stream.indirect_vreg.gather [hbm4b:s5+s3], $0x80, v4, vm0, $0xb8;
	[tilespmem:$0x18080] =	vst v63  }
0x139: {  	s29 =	simm.s32 $0x13880  }
0x13a: {  	[tilespmem:s29], [sflag:$0x1] =	stream.indirect_vreg.gather [hbm4b:s1+s3], $0x80, v3, vm0, $0xb8;
	[tilespmem:$0x18080] =	vst v63  }
0x13b: {  	s30 =	simm.s32 $0x14080  }
0x13c: {  	[tilespmem:s30], [sflag:$0x1] =	stream.indirect_vreg.gather [hbm4b:s4+s3], $0x80, v3, vm0, $0xb8;
	[tilespmem:$0x18080] =	vst v63  }
0x13d: {  	s31 =	simm.s32 $0x14880  }
0x13e: {  	[tilespmem:s31], [sflag:$0x1] =	stream.indirect_vreg.gather [hbm4b:s5+s3], $0x80, v3, vm0, $0xb8;
	[tilespmem:$0x18080] =	vst v63  }
0x13f: {  	v3 =	vld [tilespmem:$0x70];
	_ =	sdelay $0x4  }
0x140: {  	v47 =	vshrl.u32 v3, $0x3  }
0x141: {  	v4 =	vmul.u32 $0x30, v47  }
0x142: {  	v3 =	vand.u32 $0x7, v3  }
0x143: {  	v3 =	vor.u32 v3, v4  }
0x144: {  	v4 =	vperm.xlane v3, v0;
	_ =	sdelay $0x1  }
0x145: {  	v4 =	vadd.s32 v1, v4;
	_ =	sdelay $0x3  }
0x146: {  	s31 =	simm.s32 $0x15080;
	v3 =	vperm.xlane v3, v2  }
0x147: {  	[tilespmem:s31], [sflag:$0x1] =	stream.indirect_vreg.gather [hbm4b:s1+s3], $0x80, v4, vm0, $0xb8;
	[tilespmem:$0x18080] =	vst v63  }
0x148: {  	s25 =	simm.s32 $0x15880;
	v3 =	vadd.s32 v1, v3  }
0x149: {  	[tilespmem:s25], [sflag:$0x1] =	stream.indirect_vreg.gather [hbm4b:s4+s3], $0x80, v4, vm0, $0xb8;
	[tilespmem:$0x18080] =	vst v63  }
0x14a: {  	s26 =	simm.s32 $0x16080  }
0x14b: {  	[tilespmem:s26], [sflag:$0x1] =	stream.indirect_vreg.gather [hbm4b:s5+s3], $0x80, v4, vm0, $0xb8;
	[tilespmem:$0x18080] =	vst v63  }
0x14c: {  	s29 =	simm.s32 $0x16880  }
0x14d: {  	[tilespmem:s29], [sflag:$0x1] =	stream.indirect_vreg.gather [hbm4b:s1+s3], $0x80, v3, vm0, $0xb8;
	[tilespmem:$0x18080] =	vst v63  }
0x14e: {  	s30 =	simm.s32 $0x17080  }
0x14f: {  	[tilespmem:s30], [sflag:$0x1] =	stream.indirect_vreg.gather [hbm4b:s4+s3], $0x80, v3, vm0, $0xb8;
	[tilespmem:$0x18080] =	vst v63  }
0x150: {  	s31 =	simm.s32 $0x17880  }
0x151: {  	[tilespmem:s31], [sflag:$0x1] =	stream.indirect_vreg.gather [hbm4b:s5+s3], $0x80, v3, vm0, $0xb8;
	[tilespmem:$0x18080] =	vst v63  }
0x152: {  	_ =	swait.ge [sflag:s2], $0x18000  }
0x153: {  	[sflag:s2] =	ssyncset.done $0x0  }
0x154: {  	s25 =	rddreg [dreg:$0x7];
	[sflag:s2] =	ssyncadd.s32 $0xFFFE8000  }
0x155: {  	[hbm4b:s25+s3] =	stream.linear.scatter [tilespmem:s28], [sflag:$0x2], $0x18000, $0x38;
	[tilespmem:$0x18080] =	vst v63  }
0x156: {  	_ =	swait.ge [sflag:s7], $0x18000  }
0x157: {  	[sflag:s7] =	ssyncset.done $0x0  }
0x158: {  	s26 =	rddreg [dreg:$0x8];
	[sflag:s7] =	ssyncadd.s32 $0xFFFE8000  }
0x159: {  	[tilespmem:s3], [sflag:$0x2] =	stream.linear.gather [hbm4b:s26+s3], $0x80, $0x38;
	[tilespmem:$0x18080] =	vst v63  }
0x15a: {  	_ =	swait.ge [sflag:s7], $0x80  }
0x15b: {  	[sflag:s7] =	ssyncset.done $0x0  }
0x15c: {  	[sflag:s7] =	ssyncadd.s32 $0xFFFFFF80  }
0x15d: {  	v3 =	vld [tilespmem:$0x0];
	_ =	sdelay $0x4  }
0x15e: {  	v48 =	vshrl.u32 v3, $0x3  }
0x15f: {  	v4 =	vmul.u32 $0x30, v48  }
0x160: {  	v3 =	vand.u32 $0x7, v3  }
0x161: {  	v3 =	vor.u32 v3, v4  }
0x162: {  	v4 =	vperm.xlane v3, v0;
	_ =	sdelay $0x1  }
0x163: {  	v4 =	vadd.s32 v1, v4;
	_ =	sdelay $0x3  }
0x164: {  	v3 =	vperm.xlane v3, v2  }
0x165: {  	[tilespmem:s28], [sflag:$0x1] =	stream.indirect_vreg.gather [hbm4b:s1+s3], $0x80, v4, vm0, $0xb8;
	[tilespmem:$0x18080] =	vst v63  }
0x166: {  	v3 =	vadd.s32 v1, v3  }
0x167: {  	[tilespmem:s0], [sflag:$0x1] =	stream.indirect_vreg.gather [hbm4b:s4+s3], $0x80, v4, vm0, $0xb8;
	[tilespmem:$0x18080] =	vst v63  }
0x168: {  	_ = 	snop  }
0x169: {  	[tilespmem:s8], [sflag:$0x1] =	stream.indirect_vreg.gather [hbm4b:s5+s3], $0x80, v4, vm0, $0xb8;
	[tilespmem:$0x18080] =	vst v63  }
0x16a: {  	_ = 	snop  }
0x16b: {  	[tilespmem:s10], [sflag:$0x1] =	stream.indirect_vreg.gather [hbm4b:s1+s3], $0x80, v3, vm0, $0xb8;
	[tilespmem:$0x18080] =	vst v63  }
0x16c: {  	_ = 	snop  }
0x16d: {  	[tilespmem:s11], [sflag:$0x1] =	stream.indirect_vreg.gather [hbm4b:s4+s3], $0x80, v3, vm0, $0xb8;
	[tilespmem:$0x18080] =	vst v63  }
0x16e: {  	s29 =	simm.s32 $0x2880  }
0x16f: {  	[tilespmem:s29], [sflag:$0x1] =	stream.indirect_vreg.gather [hbm4b:s5+s3], $0x80, v3, vm0, $0xb8;
	[tilespmem:$0x18080] =	vst v63  }
0x170: {  	v3 =	vld [tilespmem:$0x10];
	_ =	sdelay $0x4  }
0x171: {  	v49 =	vshrl.u32 v3, $0x3  }
0x172: {  	v4 =	vmul.u32 $0x30, v49  }
0x173: {  	v3 =	vand.u32 $0x7, v3  }
0x174: {  	v3 =	vor.u32 v3, v4  }
0x175: {  	v4 =	vperm.xlane v3, v0;
	_ =	sdelay $0x1  }
0x176: {  	v4 =	vadd.s32 v1, v4;
	_ =	sdelay $0x3  }
0x177: {  	s30 =	simm.s32 $0x3080;
	v3 =	vperm.xlane v3, v2  }
0x178: {  	[tilespmem:s30], [sflag:$0x1] =	stream.indirect_vreg.gather [hbm4b:s1+s3], $0x80, v4, vm0, $0xb8;
	[tilespmem:$0x18080] =	vst v63  }
0x179: {  	v3 =	vadd.s32 v1, v3  }
0x17a: {  	[tilespmem:s12], [sflag:$0x1] =	stream.indirect_vreg.gather [hbm4b:s4+s3], $0x80, v4, vm0, $0xb8;
	[tilespmem:$0x18080] =	vst v63  }
0x17b: {  	_ = 	snop  }
0x17c: {  	[tilespmem:s13], [sflag:$0x1] =	stream.indirect_vreg.gather [hbm4b:s5+s3], $0x80, v4, vm0, $0xb8;
	[tilespmem:$0x18080] =	vst v63  }
0x17d: {  	_ = 	snop  }
0x17e: {  	[tilespmem:s14], [sflag:$0x1] =	stream.indirect_vreg.gather [hbm4b:s1+s3], $0x80, v3, vm0, $0xb8;
	[tilespmem:$0x18080] =	vst v63  }
0x17f: {  	_ = 	snop  }
0x180: {  	[tilespmem:s15], [sflag:$0x1] =	stream.indirect_vreg.gather [hbm4b:s4+s3], $0x80, v3, vm0, $0xb8;
	[tilespmem:$0x18080] =	vst v63  }
0x181: {  	s31 =	simm.s32 $0x5880  }
0x182: {  	[tilespmem:s31], [sflag:$0x1] =	stream.indirect_vreg.gather [hbm4b:s5+s3], $0x80, v3, vm0, $0xb8;
	[tilespmem:$0x18080] =	vst v63  }
0x183: {  	v3 =	vld [tilespmem:$0x20];
	_ =	sdelay $0x4  }
0x184: {  	v50 =	vshrl.u32 v3, $0x3  }
0x185: {  	v4 =	vmul.u32 $0x30, v50  }
0x186: {  	v3 =	vand.u32 $0x7, v3  }
0x187: {  	v3 =	vor.u32 v3, v4  }
0x188: {  	v4 =	vperm.xlane v3, v0;
	_ =	sdelay $0x1  }
0x189: {  	v4 =	vadd.s32 v1, v4;
	_ =	sdelay $0x3  }
0x18a: {  	s25 =	simm.s32 $0x6080;
	v3 =	vperm.xlane v3, v2  }
0x18b: {  	[tilespmem:s25], [sflag:$0x1] =	stream.indirect_vreg.gather [hbm4b:s1+s3], $0x80, v4, vm0, $0xb8;
	[tilespmem:$0x18080] =	vst v63  }
0x18c: {  	v3 =	vadd.s32 v1, v3  }
0x18d: {  	[tilespmem:s16], [sflag:$0x1] =	stream.indirect_vreg.gather [hbm4b:s4+s3], $0x80, v4, vm0, $0xb8;
	[tilespmem:$0x18080] =	vst v63  }
0x18e: {  	_ = 	snop  }
0x18f: {  	[tilespmem:s17], [sflag:$0x1] =	stream.indirect_vreg.gather [hbm4b:s5+s3], $0x80, v4, vm0, $0xb8;
	[tilespmem:$0x18080] =	vst v63  }
0x190: {  	_ = 	snop  }
0x191: {  	[tilespmem:s18], [sflag:$0x1] =	stream.indirect_vreg.gather [hbm4b:s1+s3], $0x80, v3, vm0, $0xb8;
	[tilespmem:$0x18080] =	vst v63  }
0x192: {  	_ = 	snop  }
0x193: {  	[tilespmem:s19], [sflag:$0x1] =	stream.indirect_vreg.gather [hbm4b:s4+s3], $0x80, v3, vm0, $0xb8;
	[tilespmem:$0x18080] =	vst v63  }
0x194: {  	s26 =	simm.s32 $0x8880  }
0x195: {  	[tilespmem:s26], [sflag:$0x1] =	stream.indirect_vreg.gather [hbm4b:s5+s3], $0x80, v3, vm0, $0xb8;
	[tilespmem:$0x18080] =	vst v63  }
0x196: {  	v3 =	vld [tilespmem:$0x30];
	_ =	sdelay $0x4  }
0x197: {  	v51 =	vshrl.u32 v3, $0x3  }
0x198: {  	v4 =	vmul.u32 $0x30, v51  }
0x199: {  	v3 =	vand.u32 $0x7, v3  }
0x19a: {  	v3 =	vor.u32 v3, v4  }
0x19b: {  	v4 =	vperm.xlane v3, v0;
	_ =	sdelay $0x1  }
0x19c: {  	v4 =	vadd.s32 v1, v4;
	_ =	sdelay $0x3  }
0x19d: {  	s29 =	simm.s32 $0x9080;
	v3 =	vperm.xlane v3, v2  }
0x19e: {  	[tilespmem:s29], [sflag:$0x1] =	stream.indirect_vreg.gather [hbm4b:s1+s3], $0x80, v4, vm0, $0xb8;
	[tilespmem:$0x18080] =	vst v63  }
0x19f: {  	v3 =	vadd.s32 v1, v3  }
0x1a0: {  	[tilespmem:s20], [sflag:$0x1] =	stream.indirect_vreg.gather [hbm4b:s4+s3], $0x80, v4, vm0, $0xb8;
	[tilespmem:$0x18080] =	vst v63  }
0x1a1: {  	_ = 	snop  }
0x1a2: {  	[tilespmem:s21], [sflag:$0x1] =	stream.indirect_vreg.gather [hbm4b:s5+s3], $0x80, v4, vm0, $0xb8;
	[tilespmem:$0x18080] =	vst v63  }
0x1a3: {  	_ = 	snop  }
0x1a4: {  	[tilespmem:s22], [sflag:$0x1] =	stream.indirect_vreg.gather [hbm4b:s1+s3], $0x80, v3, vm0, $0xb8;
	[tilespmem:$0x18080] =	vst v63  }
0x1a5: {  	s30 =	simm.s32 $0xB080  }
0x1a6: {  	[tilespmem:s30], [sflag:$0x1] =	stream.indirect_vreg.gather [hbm4b:s4+s3], $0x80, v3, vm0, $0xb8;
	[tilespmem:$0x18080] =	vst v63  }
0x1a7: {  	s31 =	simm.s32 $0xB880  }
0x1a8: {  	[tilespmem:s31], [sflag:$0x1] =	stream.indirect_vreg.gather [hbm4b:s5+s3], $0x80, v3, vm0, $0xb8;
	[tilespmem:$0x18080] =	vst v63  }
0x1a9: {  	v3 =	vld [tilespmem:$0x40];
	_ =	sdelay $0x4  }
0x1aa: {  	v52 =	vshrl.u32 v3, $0x3  }
0x1ab: {  	v4 =	vmul.u32 $0x30, v52  }
0x1ac: {  	v3 =	vand.u32 $0x7, v3  }
0x1ad: {  	v3 =	vor.u32 v3, v4  }
0x1ae: {  	v4 =	vperm.xlane v3, v0;
	_ =	sdelay $0x1  }
0x1af: {  	v4 =	vadd.s32 v1, v4;
	_ =	sdelay $0x3  }
0x1b0: {  	s25 =	simm.s32 $0xC080;
	v3 =	vperm.xlane v3, v2  }
0x1b1: {  	[tilespmem:s25], [sflag:$0x1] =	stream.indirect_vreg.gather [hbm4b:s1+s3], $0x80, v4, vm0, $0xb8;
	[tilespmem:$0x18080] =	vst v63  }
0x1b2: {  	s23 =	simm.s32 $0xC880;
	v3 =	vadd.s32 v1, v3  }
0x1b3: {  	[tilespmem:s23], [sflag:$0x1] =	stream.indirect_vreg.gather [hbm4b:s4+s3], $0x80, v4, vm0, $0xb8;
	[tilespmem:$0x18080] =	vst v63  }
0x1b4: {  	s24 =	simm.s32 $0xD080  }
0x1b5: {  	[tilespmem:s24], [sflag:$0x1] =	stream.indirect_vreg.gather [hbm4b:s5+s3], $0x80, v4, vm0, $0xb8;
	[tilespmem:$0x18080] =	vst v63  }
0x1b6: {  	s26 =	simm.s32 $0xD880  }
0x1b7: {  	[tilespmem:s26], [sflag:$0x1] =	stream.indirect_vreg.gather [hbm4b:s1+s3], $0x80, v3, vm0, $0xb8;
	[tilespmem:$0x18080] =	vst v63  }
0x1b8: {  	s29 =	simm.s32 $0xE080  }
0x1b9: {  	[tilespmem:s29], [sflag:$0x1] =	stream.indirect_vreg.gather [hbm4b:s4+s3], $0x80, v3, vm0, $0xb8;
	[tilespmem:$0x18080] =	vst v63  }
0x1ba: {  	s30 =	simm.s32 $0xE880  }
0x1bb: {  	[tilespmem:s30], [sflag:$0x1] =	stream.indirect_vreg.gather [hbm4b:s5+s3], $0x80, v3, vm0, $0xb8;
	[tilespmem:$0x18080] =	vst v63  }
0x1bc: {  	v3 =	vld [tilespmem:$0x50];
	_ =	sdelay $0x4  }
0x1bd: {  	v53 =	vshrl.u32 v3, $0x3  }
0x1be: {  	v4 =	vmul.u32 $0x30, v53  }
0x1bf: {  	v3 =	vand.u32 $0x7, v3  }
0x1c0: {  	v3 =	vor.u32 v3, v4  }
0x1c1: {  	v4 =	vperm.xlane v3, v0;
	_ =	sdelay $0x1  }
0x1c2: {  	v4 =	vadd.s32 v1, v4;
	_ =	sdelay $0x3  }
0x1c3: {  	s31 =	simm.s32 $0xF080;
	v3 =	vperm.xlane v3, v2  }
0x1c4: {  	[tilespmem:s31], [sflag:$0x1] =	stream.indirect_vreg.gather [hbm4b:s1+s3], $0x80, v4, vm0, $0xb8;
	[tilespmem:$0x18080] =	vst v63  }
0x1c5: {  	s29 =	simm.s32 $0xF880;
	v3 =	vadd.s32 v1, v3  }
0x1c6: {  	[tilespmem:s29], [sflag:$0x1] =	stream.indirect_vreg.gather [hbm4b:s4+s3], $0x80, v4, vm0, $0xb8;
	[tilespmem:$0x18080] =	vst v63  }
0x1c7: {  	s30 =	simm.s32 $0x10080  }
0x1c8: {  	[tilespmem:s30], [sflag:$0x1] =	stream.indirect_vreg.gather [hbm4b:s5+s3], $0x80, v4, vm0, $0xb8;
	[tilespmem:$0x18080] =	vst v63  }
0x1c9: {  	s31 =	simm.s32 $0x10880  }
0x1ca: {  	[tilespmem:s31], [sflag:$0x1] =	stream.indirect_vreg.gather [hbm4b:s1+s3], $0x80, v3, vm0, $0xb8;
	[tilespmem:$0x18080] =	vst v63  }
0x1cb: {  	s9 =	simm.s32 $0x11080  }
0x1cc: {  	[tilespmem:s9], [sflag:$0x1] =	stream.indirect_vreg.gather [hbm4b:s4+s3], $0x80, v3, vm0, $0xb8;
	[tilespmem:$0x18080] =	vst v63  }
0x1cd: {  	s9 =	simm.s32 $0x11880  }
0x1ce: {  	[tilespmem:s9], [sflag:$0x1] =	stream.indirect_vreg.gather [hbm4b:s5+s3], $0x80, v3, vm0, $0xb8;
	[tilespmem:$0x18080] =	vst v63  }
0x1cf: {  	v3 =	vld [tilespmem:$0x60];
	_ =	sdelay $0x4  }
0x1d0: {  	v54 =	vshrl.u32 v3, $0x3  }
0x1d1: {  	v4 =	vmul.u32 $0x30, v54  }
0x1d2: {  	v3 =	vand.u32 $0x7, v3  }
0x1d3: {  	v3 =	vor.u32 v3, v4  }
0x1d4: {  	v4 =	vperm.xlane v3, v0;
	_ =	sdelay $0x1  }
0x1d5: {  	v4 =	vadd.s32 v1, v4;
	_ =	sdelay $0x3  }
0x1d6: {  	s9 =	simm.s32 $0x12080;
	v3 =	vperm.xlane v3, v2  }
0x1d7: {  	[tilespmem:s9], [sflag:$0x1] =	stream.indirect_vreg.gather [hbm4b:s1+s3], $0x80, v4, vm0, $0xb8;
	[tilespmem:$0x18080] =	vst v63  }
0x1d8: {  	v3 =	vadd.s32 v1, v3;
	s9 =	simm.s32 $0x12880  }
0x1d9: {  	[tilespmem:s9], [sflag:$0x1] =	stream.indirect_vreg.gather [hbm4b:s4+s3], $0x80, v4, vm0, $0xb8;
	[tilespmem:$0x18080] =	vst v63  }
0x1da: {  	s9 =	simm.s32 $0x13080  }
0x1db: {  	[tilespmem:s9], [sflag:$0x1] =	stream.indirect_vreg.gather [hbm4b:s5+s3], $0x80, v4, vm0, $0xb8;
	[tilespmem:$0x18080] =	vst v63  }
0x1dc: {  	s9 =	simm.s32 $0x13880  }
0x1dd: {  	[tilespmem:s9], [sflag:$0x1] =	stream.indirect_vreg.gather [hbm4b:s1+s3], $0x80, v3, vm0, $0xb8;
	[tilespmem:$0x18080] =	vst v63  }
0x1de: {  	s9 =	simm.s32 $0x14080  }
0x1df: {  	[tilespmem:s9], [sflag:$0x1] =	stream.indirect_vreg.gather [hbm4b:s4+s3], $0x80, v3, vm0, $0xb8;
	[tilespmem:$0x18080] =	vst v63  }
0x1e0: {  	s9 =	simm.s32 $0x14880  }
0x1e1: {  	[tilespmem:s9], [sflag:$0x1] =	stream.indirect_vreg.gather [hbm4b:s5+s3], $0x80, v3, vm0, $0xb8;
	[tilespmem:$0x18080] =	vst v63  }
0x1e2: {  	v3 =	vld [tilespmem:$0x70];
	_ =	sdelay $0x4  }
0x1e3: {  	v55 =	vshrl.u32 v3, $0x3  }
0x1e4: {  	v4 =	vmul.u32 $0x30, v55  }
0x1e5: {  	v3 =	vand.u32 $0x7, v3  }
0x1e6: {  	v3 =	vor.u32 v3, v4  }
0x1e7: {  	v4 =	vperm.xlane v3, v0;
	_ =	sdelay $0x1  }
0x1e8: {  	v4 =	vadd.s32 v1, v4;
	_ =	sdelay $0x3  }
0x1e9: {  	s9 =	simm.s32 $0x15080;
	v3 =	vperm.xlane v3, v2  }
0x1ea: {  	[tilespmem:s9], [sflag:$0x1] =	stream.indirect_vreg.gather [hbm4b:s1+s3], $0x80, v4, vm0, $0xb8;
	[tilespmem:$0x18080] =	vst v63  }
0x1eb: {  	v3 =	vadd.s32 v1, v3;
	s9 =	simm.s32 $0x15880  }
0x1ec: {  	[tilespmem:s9], [sflag:$0x1] =	stream.indirect_vreg.gather [hbm4b:s4+s3], $0x80, v4, vm0, $0xb8;
	[tilespmem:$0x18080] =	vst v63  }
0x1ed: {  	s9 =	simm.s32 $0x16080  }
0x1ee: {  	[tilespmem:s9], [sflag:$0x1] =	stream.indirect_vreg.gather [hbm4b:s5+s3], $0x80, v4, vm0, $0xb8;
	[tilespmem:$0x18080] =	vst v63  }
0x1ef: {  	s9 =	simm.s32 $0x16880  }
0x1f0: {  	[tilespmem:s9], [sflag:$0x1] =	stream.indirect_vreg.gather [hbm4b:s1+s3], $0x80, v3, vm0, $0xb8;
	[tilespmem:$0x18080] =	vst v63  }
0x1f1: {  	s9 =	simm.s32 $0x17080  }
0x1f2: {  	[tilespmem:s9], [sflag:$0x1] =	stream.indirect_vreg.gather [hbm4b:s4+s3], $0x80, v3, vm0, $0xb8;
	[tilespmem:$0x18080] =	vst v63  }
0x1f3: {  	s9 =	simm.s32 $0x17880  }
0x1f4: {  	[tilespmem:s9], [sflag:$0x1] =	stream.indirect_vreg.gather [hbm4b:s5+s3], $0x80, v3, vm0, $0xb8;
	[tilespmem:$0x18080] =	vst v63  }
0x1f5: {  	_ =	swait.ge [sflag:s2], $0x18000  }
0x1f6: {  	[sflag:s2] =	ssyncset.done $0x0  }
0x1f7: {  	s9 =	rddreg [dreg:$0x9];
	[sflag:s2] =	ssyncadd.s32 $0xFFFE8000  }
0x1f8: {  	[hbm4b:s9+s3] =	stream.linear.scatter [tilespmem:s28], [sflag:$0x2], $0x18000, $0x38;
	[tilespmem:$0x18080] =	vst v63  }
0x1f9: {  	_ =	swait.ge [sflag:s7], $0x18000  }
0x1fa: {  	[sflag:s7] =	ssyncset.done $0x0  }
0x1fb: {  	s9 =	rddreg [dreg:$0xa];
	[sflag:s7] =	ssyncadd.s32 $0xFFFE8000  }
0x1fc: {  	[tilespmem:s3], [sflag:$0x2] =	stream.linear.gather [hbm4b:s9+s3], $0x80, $0x38;
	[tilespmem:$0x18080] =	vst v63  }
0x1fd: {  	_ =	swait.ge [sflag:s7], $0x80  }
0x1fe: {  	[sflag:s7] =	ssyncset.done $0x0  }
0x1ff: {  	[sflag:s7] =	ssyncadd.s32 $0xFFFFFF80  }
0x200: {  	v3 =	vld [tilespmem:$0x0];
	_ =	sdelay $0x4  }
0x201: {  	v56 =	vshrl.u32 v3, $0x3  }
0x202: {  	v4 =	vmul.u32 $0x30, v56  }
0x203: {  	v3 =	vand.u32 $0x7, v3  }
0x204: {  	v3 =	vor.u32 v3, v4  }
0x205: {  	v4 =	vperm.xlane v3, v0;
	_ =	sdelay $0x1  }
0x206: {  	v4 =	vadd.s32 v1, v4;
	_ =	sdelay $0x3  }
0x207: {  	v3 =	vperm.xlane v3, v2  }
0x208: {  	[tilespmem:s28], [sflag:$0x1] =	stream.indirect_vreg.gather [hbm4b:s1+s3], $0x80, v4, vm0, $0xb8;
	[tilespmem:$0x18080] =	vst v63  }
0x209: {  	s0 =	simm.s32 $0x880;
	v3 =	vadd.s32 v1, v3  }
0x20a: {  	[tilespmem:s0], [sflag:$0x1] =	stream.indirect_vreg.gather [hbm4b:s4+s3], $0x80, v4, vm0, $0xb8;
	[tilespmem:$0x18080] =	vst v63  }
0x20b: {  	s8 =	simm.s32 $0x1080  }
0x20c: {  	[tilespmem:s8], [sflag:$0x1] =	stream.indirect_vreg.gather [hbm4b:s5+s3], $0x80, v4, vm0, $0xb8;
	[tilespmem:$0x18080] =	vst v63  }
0x20d: {  	s10 =	simm.s32 $0x1880  }
0x20e: {  	[tilespmem:s10], [sflag:$0x1] =	stream.indirect_vreg.gather [hbm4b:s1+s3], $0x80, v3, vm0, $0xb8;
	[tilespmem:$0x18080] =	vst v63  }
0x20f: {  	s11 =	simm.s32 $0x2080  }
0x210: {  	[tilespmem:s11], [sflag:$0x1] =	stream.indirect_vreg.gather [hbm4b:s4+s3], $0x80, v3, vm0, $0xb8;
	[tilespmem:$0x18080] =	vst v63  }
0x211: {  	s10 =	simm.s32 $0x2880  }
0x212: {  	[tilespmem:s10], [sflag:$0x1] =	stream.indirect_vreg.gather [hbm4b:s5+s3], $0x80, v3, vm0, $0xb8;
	[tilespmem:$0x18080] =	vst v63  }
0x213: {  	v3 =	vld [tilespmem:$0x10];
	_ =	sdelay $0x4  }
0x214: {  	v57 =	vshrl.u32 v3, $0x3  }
0x215: {  	v4 =	vmul.u32 $0x30, v57  }
0x216: {  	v3 =	vand.u32 $0x7, v3  }
0x217: {  	v3 =	vor.u32 v3, v4  }
0x218: {  	v4 =	vperm.xlane v3, v0;
	_ =	sdelay $0x1  }
0x219: {  	v4 =	vadd.s32 v1, v4;
	_ =	sdelay $0x3  }
0x21a: {  	s11 =	simm.s32 $0x3080;
	v3 =	vperm.xlane v3, v2  }
0x21b: {  	[tilespmem:s11], [sflag:$0x1] =	stream.indirect_vreg.gather [hbm4b:s1+s3], $0x80, v4, vm0, $0xb8;
	[tilespmem:$0x18080] =	vst v63  }
0x21c: {  	s12 =	simm.s32 $0x3880;
	v3 =	vadd.s32 v1, v3  }
0x21d: {  	[tilespmem:s12], [sflag:$0x1] =	stream.indirect_vreg.gather [hbm4b:s4+s3], $0x80, v4, vm0, $0xb8;
	[tilespmem:$0x18080] =	vst v63  }
0x21e: {  	s13 =	simm.s32 $0x4080  }
0x21f: {  	[tilespmem:s13], [sflag:$0x1] =	stream.indirect_vreg.gather [hbm4b:s5+s3], $0x80, v4, vm0, $0xb8;
	[tilespmem:$0x18080] =	vst v63  }
0x220: {  	s14 =	simm.s32 $0x4880  }
0x221: {  	[tilespmem:s14], [sflag:$0x1] =	stream.indirect_vreg.gather [hbm4b:s1+s3], $0x80, v3, vm0, $0xb8;
	[tilespmem:$0x18080] =	vst v63  }
0x222: {  	s15 =	simm.s32 $0x5080  }
0x223: {  	[tilespmem:s15], [sflag:$0x1] =	stream.indirect_vreg.gather [hbm4b:s4+s3], $0x80, v3, vm0, $0xb8;
	[tilespmem:$0x18080] =	vst v63  }
0x224: {  	s14 =	simm.s32 $0x5880  }
0x225: {  	[tilespmem:s14], [sflag:$0x1] =	stream.indirect_vreg.gather [hbm4b:s5+s3], $0x80, v3, vm0, $0xb8;
	[tilespmem:$0x18080] =	vst v63  }
0x226: {  	v3 =	vld [tilespmem:$0x20];
	_ =	sdelay $0x4  }
0x227: {  	v58 =	vshrl.u32 v3, $0x3  }
0x228: {  	v4 =	vmul.u32 $0x30, v58  }
0x229: {  	v3 =	vand.u32 $0x7, v3  }
0x22a: {  	v3 =	vor.u32 v3, v4  }
0x22b: {  	v4 =	vperm.xlane v3, v0;
	_ =	sdelay $0x1  }
0x22c: {  	v4 =	vadd.s32 v1, v4;
	_ =	sdelay $0x3  }
0x22d: {  	s15 =	simm.s32 $0x6080;
	v3 =	vperm.xlane v3, v2  }
0x22e: {  	[tilespmem:s15], [sflag:$0x1] =	stream.indirect_vreg.gather [hbm4b:s1+s3], $0x80, v4, vm0, $0xb8;
	[tilespmem:$0x18080] =	vst v63  }
0x22f: {  	s16 =	simm.s32 $0x6880;
	v3 =	vadd.s32 v1, v3  }
0x230: {  	[tilespmem:s16], [sflag:$0x1] =	stream.indirect_vreg.gather [hbm4b:s4+s3], $0x80, v4, vm0, $0xb8;
	[tilespmem:$0x18080] =	vst v63  }
0x231: {  	s17 =	simm.s32 $0x7080  }
0x232: {  	[tilespmem:s17], [sflag:$0x1] =	stream.indirect_vreg.gather [hbm4b:s5+s3], $0x80, v4, vm0, $0xb8;
	[tilespmem:$0x18080] =	vst v63  }
0x233: {  	s18 =	simm.s32 $0x7880  }
0x234: {  	[tilespmem:s18], [sflag:$0x1] =	stream.indirect_vreg.gather [hbm4b:s1+s3], $0x80, v3, vm0, $0xb8;
	[tilespmem:$0x18080] =	vst v63  }
0x235: {  	s19 =	simm.s32 $0x8080  }
0x236: {  	[tilespmem:s19], [sflag:$0x1] =	stream.indirect_vreg.gather [hbm4b:s4+s3], $0x80, v3, vm0, $0xb8;
	[tilespmem:$0x18080] =	vst v63  }
0x237: {  	s8 =	simm.s32 $0x8880  }
0x238: {  	[tilespmem:s8], [sflag:$0x1] =	stream.indirect_vreg.gather [hbm4b:s5+s3], $0x80, v3, vm0, $0xb8;
	[tilespmem:$0x18080] =	vst v63  }
0x239: {  	v3 =	vld [tilespmem:$0x30];
	_ =	sdelay $0x4  }
0x23a: {  	v59 =	vshrl.u32 v3, $0x3  }
0x23b: {  	v4 =	vmul.u32 $0x30, v59  }
0x23c: {  	v3 =	vand.u32 $0x7, v3  }
0x23d: {  	v3 =	vor.u32 v3, v4  }
0x23e: {  	v4 =	vperm.xlane v3, v0;
	_ =	sdelay $0x1  }
0x23f: {  	v4 =	vadd.s32 v1, v4;
	_ =	sdelay $0x3  }
0x240: {  	s9 =	simm.s32 $0x9080;
	v3 =	vperm.xlane v3, v2  }
0x241: {  	[tilespmem:s9], [sflag:$0x1] =	stream.indirect_vreg.gather [hbm4b:s1+s3], $0x80, v4, vm0, $0xb8;
	[tilespmem:$0x18080] =	vst v63  }
0x242: {  	s20 =	simm.s32 $0x9880;
	v3 =	vadd.s32 v1, v3  }
0x243: {  	[tilespmem:s20], [sflag:$0x1] =	stream.indirect_vreg.gather [hbm4b:s4+s3], $0x80, v4, vm0, $0xb8;
	[tilespmem:$0x18080] =	vst v63  }
0x244: {  	s21 =	simm.s32 $0xA080  }
0x245: {  	[tilespmem:s21], [sflag:$0x1] =	stream.indirect_vreg.gather [hbm4b:s5+s3], $0x80, v4, vm0, $0xb8;
	[tilespmem:$0x18080] =	vst v63  }
0x246: {  	s22 =	simm.s32 $0xA880  }
0x247: {  	[tilespmem:s22], [sflag:$0x1] =	stream.indirect_vreg.gather [hbm4b:s1+s3], $0x80, v3, vm0, $0xb8;
	[tilespmem:$0x18080] =	vst v63  }
0x248: {  	s10 =	simm.s32 $0xB080  }
0x249: {  	[tilespmem:s10], [sflag:$0x1] =	stream.indirect_vreg.gather [hbm4b:s4+s3], $0x80, v3, vm0, $0xb8;
	[tilespmem:$0x18080] =	vst v63  }
0x24a: {  	s11 =	simm.s32 $0xB880  }
0x24b: {  	[tilespmem:s11], [sflag:$0x1] =	stream.indirect_vreg.gather [hbm4b:s5+s3], $0x80, v3, vm0, $0xb8;
	[tilespmem:$0x18080] =	vst v63  }
0x24c: {  	v3 =	vld [tilespmem:$0x40];
	_ =	sdelay $0x4  }
0x24d: {  	v60 =	vshrl.u32 v3, $0x3  }
0x24e: {  	v4 =	vmul.u32 $0x30, v60  }
0x24f: {  	v3 =	vand.u32 $0x7, v3  }
0x250: {  	v3 =	vor.u32 v3, v4  }
0x251: {  	v4 =	vperm.xlane v3, v0;
	_ =	sdelay $0x1  }
0x252: {  	v4 =	vadd.s32 v1, v4;
	_ =	sdelay $0x3  }
0x253: {  	s12 =	simm.s32 $0xC080;
	v3 =	vperm.xlane v3, v2  }
0x254: {  	[tilespmem:s12], [sflag:$0x1] =	stream.indirect_vreg.gather [hbm4b:s1+s3], $0x80, v4, vm0, $0xb8;
	[tilespmem:$0x18080] =	vst v63  }
0x255: {  	s23 =	simm.s32 $0xC880;
	v3 =	vadd.s32 v1, v3  }
0x256: {  	[tilespmem:s23], [sflag:$0x1] =	stream.indirect_vreg.gather [hbm4b:s4+s3], $0x80, v4, vm0, $0xb8;
	[tilespmem:$0x18080] =	vst v63  }
0x257: {  	s24 =	simm.s32 $0xD080  }
0x258: {  	[tilespmem:s24], [sflag:$0x1] =	stream.indirect_vreg.gather [hbm4b:s5+s3], $0x80, v4, vm0, $0xb8;
	[tilespmem:$0x18080] =	vst v63  }
0x259: {  	s25 =	simm.s32 $0xD880  }
0x25a: {  	[tilespmem:s25], [sflag:$0x1] =	stream.indirect_vreg.gather [hbm4b:s1+s3], $0x80, v3, vm0, $0xb8;
	[tilespmem:$0x18080] =	vst v63  }
0x25b: {  	s26 =	simm.s32 $0xE080  }
0x25c: {  	[tilespmem:s26], [sflag:$0x1] =	stream.indirect_vreg.gather [hbm4b:s4+s3], $0x80, v3, vm0, $0xb8;
	[tilespmem:$0x18080] =	vst v63  }
0x25d: {  	s13 =	simm.s32 $0xE880  }
0x25e: {  	[tilespmem:s13], [sflag:$0x1] =	stream.indirect_vreg.gather [hbm4b:s5+s3], $0x80, v3, vm0, $0xb8;
	[tilespmem:$0x18080] =	vst v63  }
0x25f: {  	v3 =	vld [tilespmem:$0x50];
	_ =	sdelay $0x4  }
0x260: {  	v61 =	vshrl.u32 v3, $0x3  }
0x261: {  	v4 =	vmul.u32 $0x30, v61  }
0x262: {  	v3 =	vand.u32 $0x7, v3  }
0x263: {  	v3 =	vor.u32 v3, v4  }
0x264: {  	v4 =	vperm.xlane v3, v0;
	_ =	sdelay $0x1  }
0x265: {  	v4 =	vadd.s32 v1, v4;
	_ =	sdelay $0x3  }
0x266: {  	s14 =	simm.s32 $0xF080;
	v3 =	vperm.xlane v3, v2  }
0x267: {  	[tilespmem:s14], [sflag:$0x1] =	stream.indirect_vreg.gather [hbm4b:s1+s3], $0x80, v4, vm0, $0xb8;
	[tilespmem:$0x18080] =	vst v63  }
0x268: {  	s29 =	simm.s32 $0xF880;
	v3 =	vadd.s32 v1, v3  }
0x269: {  	[tilespmem:s29], [sflag:$0x1] =	stream.indirect_vreg.gather [hbm4b:s4+s3], $0x80, v4, vm0, $0xb8;
	[tilespmem:$0x18080] =	vst v63  }
0x26a: {  	s30 =	simm.s32 $0x10080  }
0x26b: {  	[tilespmem:s30], [sflag:$0x1] =	stream.indirect_vreg.gather [hbm4b:s5+s3], $0x80, v4, vm0, $0xb8;
	[tilespmem:$0x18080] =	vst v63  }
0x26c: {  	s31 =	simm.s32 $0x10880  }
0x26d: {  	[tilespmem:s31], [sflag:$0x1] =	stream.indirect_vreg.gather [hbm4b:s1+s3], $0x80, v3, vm0, $0xb8;
	[tilespmem:$0x18080] =	vst v63  }
0x26e: {  	s15 =	simm.s32 $0x11080  }
0x26f: {  	[tilespmem:s15], [sflag:$0x1] =	stream.indirect_vreg.gather [hbm4b:s4+s3], $0x80, v3, vm0, $0xb8;
	[tilespmem:$0x18080] =	vst v63  }
0x270: {  	s16 =	simm.s32 $0x11880  }
0x271: {  	[tilespmem:s16], [sflag:$0x1] =	stream.indirect_vreg.gather [hbm4b:s5+s3], $0x80, v3, vm0, $0xb8;
	[tilespmem:$0x18080] =	vst v63  }
0x272: {  	v3 =	vld [tilespmem:$0x60];
	_ =	sdelay $0x4  }
0x273: {  	v62 =	vshrl.u32 v3, $0x3  }
0x274: {  	v4 =	vmul.u32 $0x30, v62  }
0x275: {  	v3 =	vand.u32 $0x7, v3  }
0x276: {  	v3 =	vor.u32 v3, v4  }
0x277: {  	v4 =	vperm.xlane v3, v0;
	_ =	sdelay $0x1  }
0x278: {  	v4 =	vadd.s32 v1, v4;
	_ =	sdelay $0x3  }
0x279: {  	s17 =	simm.s32 $0x12080;
	v3 =	vperm.xlane v3, v2  }
0x27a: {  	[tilespmem:s17], [sflag:$0x1] =	stream.indirect_vreg.gather [hbm4b:s1+s3], $0x80, v4, vm0, $0xb8;
	[tilespmem:$0x18080] =	vst v63  }
0x27b: {  	s18 =	simm.s32 $0x12880;
	v3 =	vadd.s32 v1, v3  }
0x27c: {  	[tilespmem:s18], [sflag:$0x1] =	stream.indirect_vreg.gather [hbm4b:s4+s3], $0x80, v4, vm0, $0xb8;
	[tilespmem:$0x18080] =	vst v63  }
0x27d: {  	s19 =	simm.s32 $0x13080  }
0x27e: {  	[tilespmem:s19], [sflag:$0x1] =	stream.indirect_vreg.gather [hbm4b:s5+s3], $0x80, v4, vm0, $0xb8;
	[tilespmem:$0x18080] =	vst v63  }
0x27f: {  	s20 =	simm.s32 $0x13880  }
0x280: {  	[tilespmem:s20], [sflag:$0x1] =	stream.indirect_vreg.gather [hbm4b:s1+s3], $0x80, v3, vm0, $0xb8;
	[tilespmem:$0x18080] =	vst v63  }
0x281: {  	s21 =	simm.s32 $0x14080  }
0x282: {  	[tilespmem:s21], [sflag:$0x1] =	stream.indirect_vreg.gather [hbm4b:s4+s3], $0x80, v3, vm0, $0xb8;
	[tilespmem:$0x18080] =	vst v63  }
0x283: {  	s22 =	simm.s32 $0x14880  }
0x284: {  	[tilespmem:s22], [sflag:$0x1] =	stream.indirect_vreg.gather [hbm4b:s5+s3], $0x80, v3, vm0, $0xb8;
	[tilespmem:$0x18080] =	vst v63  }
0x285: {  	v3 =	vld [tilespmem:$0x70];
	_ =	sdelay $0x4  }
0x286: {  	v63 =	vshrl.u32 v3, $0x3  }
0x287: {  	v4 =	vmul.u32 $0x30, v63  }
0x288: {  	v3 =	vand.u32 $0x7, v3  }
0x289: {  	v3 =	vor.u32 v3, v4  }
0x28a: {  	v4 =	vperm.xlane v3, v0;
	_ =	sdelay $0x1  }
0x28b: {  	v4 =	vadd.s32 v1, v4;
	_ =	sdelay $0x3  }
0x28c: {  	s23 =	simm.s32 $0x15080;
	v3 =	vperm.xlane v3, v2  }
0x28d: {  	[tilespmem:s23], [sflag:$0x1] =	stream.indirect_vreg.gather [hbm4b:s1+s3], $0x80, v4, vm0, $0xb8;
	[tilespmem:$0x18080] =	vst v63  }
0x28e: {  	s24 =	simm.s32 $0x15880;
	v3 =	vadd.s32 v1, v3  }
0x28f: {  	[tilespmem:s24], [sflag:$0x1] =	stream.indirect_vreg.gather [hbm4b:s4+s3], $0x80, v4, vm0, $0xb8;
	[tilespmem:$0x18080] =	vst v63  }
0x290: {  	s25 =	simm.s32 $0x16080  }
0x291: {  	[tilespmem:s25], [sflag:$0x1] =	stream.indirect_vreg.gather [hbm4b:s5+s3], $0x80, v4, vm0, $0xb8;
	[tilespmem:$0x18080] =	vst v63  }
0x292: {  	s26 =	simm.s32 $0x16880  }
0x293: {  	[tilespmem:s26], [sflag:$0x1] =	stream.indirect_vreg.gather [hbm4b:s1+s3], $0x80, v3, vm0, $0xb8;
	[tilespmem:$0x18080] =	vst v63  }
0x294: {  	s29 =	simm.s32 $0x17080  }
0x295: {  	[tilespmem:s29], [sflag:$0x1] =	stream.indirect_vreg.gather [hbm4b:s4+s3], $0x80, v3, vm0, $0xb8;
	[tilespmem:$0x18080] =	vst v63  }
0x296: {  	s30 =	simm.s32 $0x17880  }
0x297: {  	[tilespmem:s30], [sflag:$0x1] =	stream.indirect_vreg.gather [hbm4b:s5+s3], $0x80, v3, vm0, $0xb8;
	[tilespmem:$0x18080] =	vst v63  }
0x298: {  	_ =	swait.ge [sflag:s2], $0x18000  }
0x299: {  	p0 =	sne.s32 s6, $0x1;
	[sflag:s2] =	ssyncset.done $0x0  }
.Ltmp0:
0x29a: {  	s31 =	rddreg [dreg:$0xb];
	[sflag:s2] =	ssyncadd.s32 $0xFFFE8000;
	(pc) =	sbr.rel @p0 .LBB2_1-.Ltmp0, $4  }
0x29b: {  	[hbm4b:s31+s3] =	stream.linear.scatter [tilespmem:s28], [sflag:$0x2], $0x18000, $0x38;
	[tilespmem:$0x18080] =	vst v63  }
0x29c: {  	_ =	swait.ge [sflag:s7], $0x18000  }
0x29d: {  	[sflag:s7] =	ssyncset.done $0x0  }
0x29e: {  	s6 =	sadd.s32 $0xFFFFFFFF, s6;
	[sflag:s7] =	ssyncadd.s32 $0xFFFE8000  }
0x29f: {  	_ =	sfence.sel $0x180000  }
0x2a0: {  	[bflag:$0x0] =	sbarrier.arrive $0xFFFF  }
0x2a1: {  	_ =	strace $0x90000047  }
0x2a2: {  	s0 =	stileid.u32;
	[bflag:$0x2] =	sbarrier.arrive $0xFFFF  }
0x2a3: {  	p0 =	sne.s32 s0, $0x0;
	s0 =	rddreg [dreg:$0x3]  }
0x2a4: {  	s0 =	sadd.s32 @!p0 $0x100000, s0  }
0x2a5: {  	[sflag:s0] =	ssyncadd.tile.s32 @!p0 $0x1;
	_ =	shalt  }
.Lfunc_end2:
_tile_overlayer_lowered:
.L_overlay_start_2:
0x2a6: {  	(tag) =	ssettag $0x2  }
0x2a7: {  	s0 =	rddreg [dreg:$0x0];
	s2 =	stileid.u32  }
0x2a8: {  	s1 =	rddreg [dreg:$0x1];
	p0 =	sne.s32 s2, $0x0  }
0x2a9: {  	s3 =	rddreg [dreg:$0x2];
	[bflag:$0x3] =	sbarrier.arrive $0xFFFF;
	s2 =	simm.s32 @!p0 $0x1C02  }
0x2aa: {  	[timem:s3], [sflag:s2] =	dma.local @!p0 [hbm:s0], s1  }
0x2ab: {  	s0 =	simm.s32 @!p0 $0x2  }
0x2ac: {  	_ =	swait.ge @!p0 [sflag:s0], s1  }
0x2ad: {  	s1 =	ssub.s32 @!p0 $0x0, s1;
	[sflag:s0] =	ssyncset.done @!p0 $0x0  }
0x2ae: {  	[sflag:s0] =	ssyncadd.s32 @!p0 s1  }
0x2af: {  	[bflag:$0x3] =	sbarrier.arrive $0xFFFF  }
0x2b0: {  	_ =	shalt  }

</sc_bundles>
